<compile_context>
chip_gen: v7x
topology: tpu7x:2x2x1
jax: 0.10.2.dev20260603
libtpu: 0.0.44.dev20260713+nightly
codegen_flags: <defaults>
</compile_context>

<pallas_src>
import jax
import jax.numpy as jnp
from jax import lax
from jax.experimental import pallas as pl
from jax.experimental.pallas import tpu as pltpu
from jax.experimental.pallas import tpu_sc as plsc

B, S, C = 4, 8192, 768
K = 2
L = 16

TC_ROWS = 4096
SC_ROWS = S - TC_ROWS

SLABS = 8
ROWS_W = SC_ROWS // SLABS
RCHUNK = 64
NCHUNK = ROWS_W // RCHUNK
CG = C // L
CPB = C // SLABS
RUNROLL = 8

BS = 256

_NEG = float("-inf")


def _sc_body(x_hbm, out1_hbm, out2_hbm, buf0, buf1, state, shared, mbuf,
             obuf1, obuf2, sem0, sem1):
    cid = lax.axis_index("c")
    sid = lax.axis_index("s")
    grp = sid // SLABS
    slab = sid % SLABS
    b = cid * 2 + grp
    r0 = b * S + TC_ROWS + slab * ROWS_W

    def init_body(jj, _):
        state[pl.ds(jj * L, L)] = jnp.full((L,), _NEG, jnp.float32)
        return 0

    lax.fori_loop(0, 2 * C // L, init_body, 0)

    bufs = (buf0, buf1)
    sems = (sem0, sem1)
    pltpu.async_copy(
        x_hbm.at[pl.ds(pl.multiple_of(r0, RCHUNK), RCHUNK), :], buf0, sem0)

    def chunk_pair(i, _):
        for par in range(2):
            j = i * 2 + par
            nbuf, nsem = bufs[(par + 1) % 2], sems[(par + 1) % 2]

            @pl.when(j + 1 < NCHUNK)
            def _():
                pltpu.async_copy(
                    x_hbm.at[pl.ds(pl.multiple_of(r0 + (j + 1) * RCHUNK, RCHUNK),
                                   RCHUNK), :],
                    nbuf, nsem)

            pltpu.make_async_copy(
                x_hbm.at[pl.ds(0, RCHUNK), :], bufs[par], sems[par]).wait()
            buf = bufs[par]

            def cg_body(cg, _, buf=buf):
                col = cg * L
                m1 = state[pl.ds(col, L)]
                m2 = state[pl.ds(C + col, L)]

                def row_body(r, carry):
                    m1, m2 = carry
                    for u in range(RUNROLL):
                        v = buf[r * RUNROLL + u, pl.ds(col, L)]
                        m2 = jnp.maximum(m2, jnp.minimum(m1, v))
                        m1 = jnp.maximum(m1, v)
                    return m1, m2

                m1, m2 = lax.fori_loop(0, RCHUNK // RUNROLL, row_body, (m1, m2))
                state[pl.ds(col, L)] = m1
                state[pl.ds(C + col, L)] = m2
                return 0

            lax.fori_loop(0, CG, cg_body, 0)
        return 0

    lax.fori_loop(0, NCHUNK // 2, chunk_pair, 0)

    pltpu.sync_copy(state, shared.at[pl.ds(pl.multiple_of(sid * 2 * C, 8), 2 * C)])
    plsc.subcore_barrier()
    pltpu.sync_copy(
        shared.at[pl.ds(pl.multiple_of(grp * SLABS * 2 * C, 8), SLABS * 2 * C)], mbuf)

    col0 = slab * CPB

    def mg_body(j, _):
        cc = col0 + j * L
        m1 = jnp.full((L,), _NEG, jnp.float32)
        m2 = jnp.full((L,), _NEG, jnp.float32)
        for t in range(SLABS):
            a1 = mbuf[pl.ds(t * 2 * C + cc, L)]
            a2 = mbuf[pl.ds(t * 2 * C + C + cc, L)]
            m2 = jnp.maximum(jnp.maximum(m2, a2), jnp.minimum(m1, a1))
            m1 = jnp.maximum(m1, a1)
        obuf1[pl.ds(j * L, L)] = m1
        obuf2[pl.ds(j * L, L)] = m2
        return 0

    lax.fori_loop(0, CPB // L, mg_body, 0)
    o_off = pl.multiple_of(b * C + col0, 32)
    pltpu.sync_copy(obuf1, out1_hbm.at[pl.ds(o_off, CPB)])
    pltpu.sync_copy(obuf2, out2_hbm.at[pl.ds(o_off, CPB)])


def _tc_body(x_ref, o1_ref, o2_ref, m1_s, m2_s):
    t = pl.program_id(1)
    nt = pl.num_programs(1)

    @pl.when(t == 0)
    def _():
        m1_s[...] = jnp.full(m1_s.shape, _NEG, jnp.float32)
        m2_s[...] = jnp.full(m2_s.shape, _NEG, jnp.float32)

    v = x_ref[0]
    a, bb = v[:BS // 2], v[BS // 2:]
    m1 = jnp.maximum(a, bb)
    m2 = jnp.minimum(a, bb)
    h = BS // 4
    while h >= 8:
        a1, b1 = m1[:h], m1[h:]
        a2, b2 = m2[:h], m2[h:]
        m2 = jnp.maximum(jnp.maximum(a2, b2), jnp.minimum(a1, b1))
        m1 = jnp.maximum(a1, b1)
        h //= 2
    s1, s2 = m1_s[...], m2_s[...]
    m1_s[...] = jnp.maximum(s1, m1)
    m2_s[...] = jnp.maximum(jnp.maximum(s2, m2), jnp.minimum(s1, m1))

    @pl.when(t == nt - 1)
    def _():
        o1_ref[...] = m1_s[...]
        o2_ref[...] = m2_s[...]


def _merge_body(s1_ref, s2_ref, t1_ref, t2_ref, o1_ref, o2_ref):
    for b in range(B):
        m1 = t1_ref[b * 8:(b + 1) * 8, :]
        m2 = t2_ref[b * 8:(b + 1) * 8, :]
        for h in (4, 2, 1):
            a1, b1 = m1[:h], m1[h:2 * h]
            a2, b2 = m2[:h], m2[h:2 * h]
            m2 = jnp.maximum(jnp.maximum(a2, b2), jnp.minimum(a1, b1))
            m1 = jnp.maximum(a1, b1)
        b1, b2 = m1.reshape(C), m2.reshape(C)
        a1 = s1_ref[pl.ds(b * C, C)]
        a2 = s2_ref[pl.ds(b * C, C)]
        o2_ref[pl.ds(b * C, C)] = jnp.maximum(
            jnp.maximum(a2, b2), jnp.minimum(a1, b1))
        o1_ref[pl.ds(b * C, C)] = jnp.maximum(a1, b1)


def kernel(inputs):
    x2d = inputs.reshape(B * S, C)
    mesh = plsc.VectorSubcoreMesh(
        core_axis_name="c", subcore_axis_name="s", num_cores=2, num_subcores=16)
    sc_k = pl.kernel(
        _sc_body,
        out_type=(jax.ShapeDtypeStruct((B * C,), jnp.float32),
                  jax.ShapeDtypeStruct((B * C,), jnp.float32)),
        mesh=mesh,
        scratch_types=[
            pltpu.VMEM((RCHUNK, C), jnp.float32),
            pltpu.VMEM((RCHUNK, C), jnp.float32),
            pltpu.VMEM((2 * C,), jnp.float32),
            pltpu.VMEM_SHARED((16 * 2 * C,), jnp.float32),
            pltpu.VMEM((SLABS * 2 * C,), jnp.float32),
            pltpu.VMEM((CPB,), jnp.float32),
            pltpu.VMEM((CPB,), jnp.float32),
            pltpu.SemaphoreType.DMA,
            pltpu.SemaphoreType.DMA,
        ],
    )
    sc1, sc2 = sc_k(x2d)

    tc1, tc2 = pl.pallas_call(
        _tc_body,
        grid=(B, TC_ROWS // BS),
        in_specs=[pl.BlockSpec((1, BS, C), lambda b, t: (b, t, 0))],
        out_specs=(pl.BlockSpec((8, C), lambda b, t: (b, 0)),
                   pl.BlockSpec((8, C), lambda b, t: (b, 0))),
        out_shape=(jax.ShapeDtypeStruct((B * 8, C), jnp.float32),
                   jax.ShapeDtypeStruct((B * 8, C), jnp.float32)),
        scratch_shapes=[pltpu.VMEM((8, C), jnp.float32),
                        pltpu.VMEM((8, C), jnp.float32)],
        compiler_params=pltpu.CompilerParams(
            dimension_semantics=("arbitrary", "arbitrary")),
    )(inputs)

    o1, o2 = pl.pallas_call(
        _merge_body,
        out_shape=(jax.ShapeDtypeStruct((B * C,), jnp.float32),
                   jax.ShapeDtypeStruct((B * C,), jnp.float32)),
    )(sc1, sc2, tc1, tc2)

    return jnp.stack([o1, o2], axis=-1).reshape(B, C * K)

# --- scband reference (transcript-rebuilt; emitter-appended) ---
"""Pipeline reference for scband-kmax-pooling-84207128805454 (READ-ONLY COPY).

The authoritative reference and input builder live on the scoring server;
editing this copy changes nothing except your own understanding.
"""

import jax, jax.numpy as jnp
import numpy as np

K_TOPK = 2

def setup_inputs(seed: int = 0) -> dict:
    key = jax.random.key(seed)
    x = jax.random.normal(key, (4, 8192, 768), dtype=jnp.float32)
    return {"inputs": x}

def reference(inputs):
    # KMaxPooling: transpose to [B, C, S], take top-k along last dim (sorted), flatten
    shifted = jnp.transpose(inputs, (0, 2, 1))  # [B, C, S]
    top_vals, _ = jax.lax.top_k(shifted, K_TOPK)  # [B, C, k], sorted descending
    out = top_vals.reshape(top_vals.shape[0], -1)  # [B, C*k]
    return out

if __name__ == "__main__":
    import jax
    _d = setup_inputs()
    print(jax.jit(kernel)(*tuple(_d.values())))

</pallas_src>

<mosaic_0001>
#map = affine_map<(d0, d1) -> (0, 0)>
#map1 = affine_map<(d0, d1) -> (0)>
module attributes {stable_mosaic.version = 14 : i64} {
  func.func @_sc_body(%arg0: i32, %arg1: i32, %arg2: memref<32768x768xf32, #tpu.memory_space<hbm>>, %arg3: memref<3072xf32, #tpu.memory_space<hbm>>, %arg4: memref<3072xf32, #tpu.memory_space<hbm>>, %arg5: memref<64x768xf32, #tpu.memory_space<vmem>>, %arg6: memref<64x768xf32, #tpu.memory_space<vmem>>, %arg7: memref<1536xf32, #tpu.memory_space<vmem>>, %arg8: memref<24576xf32, #tpu.memory_space<vmem_shared>>, %arg9: memref<12288xf32, #tpu.memory_space<vmem>>, %arg10: memref<96xf32, #tpu.memory_space<vmem>>, %arg11: memref<96xf32, #tpu.memory_space<vmem>>, %arg12: memref<!tpu.dma_semaphore, #tpu.memory_space<semaphore_mem>>, %arg13: memref<!tpu.dma_semaphore, #tpu.memory_space<semaphore_mem>>) attributes {dimension_semantics = [#tpu.dimension_semantics<core_parallel>, #tpu.dimension_semantics<subcore_parallel>], iteration_bounds = array<i64: 2, 16>, scalar_prefetch = 0 : i64, scratch_operands = 9 : i64, tpu.core_type = #tpu.core_type<sc_vector_subcore>, window_params = [{transform_indices = #map}, {transform_indices = #map1}, {transform_indices = #map1}]} {
    %jit3A = arith.constant 8 : i32
    %div3A = arith.divsi %arg1, %jit3A : i32
    %sign3A = arith.constant 0 : i32
    %sign3A_0 = arith.cmpi sgt, %arg1, %sign3A : i32
    %sign3A_1 = arith.extui %sign3A_0 : i1 to i32
    %sign3A_2 = arith.constant 0 : i32
    %sign3A_3 = arith.cmpi slt, %arg1, %sign3A_2 : i32
    %sign3A_4 = arith.extui %sign3A_3 : i1 to i32
    %sign3A_5 = arith.subi %sign3A_1, %sign3A_4 : i32
    %sign3A_6 = arith.constant 0 : i32
    %sign3A_7 = arith.cmpi sgt, %jit3A, %sign3A_6 : i32
    %sign3A_8 = arith.extui %sign3A_7 : i1 to i32
    %sign3A_9 = arith.constant 0 : i32
    %sign3A_10 = arith.cmpi slt, %jit3A, %sign3A_9 : i32
    %sign3A_11 = arith.extui %sign3A_10 : i1 to i32
    %sign3A_12 = arith.subi %sign3A_8, %sign3A_11 : i32
    %ne3A = arith.cmpi ne, %sign3A_5, %sign3A_12 : i32
    %rem3A = arith.remsi %arg1, %jit3A : i32
    %ne3A_13 = arith.constant 0 : i32
    %ne3A_14 = arith.cmpi ne, %rem3A, %ne3A_13 : i32
    %and3A = arith.andi %ne3A, %ne3A_14 : i1
    %sub3A = arith.constant 1 : i32
    %sub3A_15 = arith.subi %div3A, %sub3A : i32
    %select_n3A = arith.select %and3A, %sub3A_15, %div3A : i32
    %jit3A_16 = arith.constant 8 : i32
    %eq3A = arith.constant 0 : i32
    %eq3A_17 = arith.cmpi eq, %jit3A_16, %eq3A : i32
    %jit3A_18 = arith.constant 1 : i32
    %select_n3A_19 = arith.select %eq3A_17, %jit3A_18, %jit3A_16 : i32
    %rem3A_20 = arith.remsi %arg1, %select_n3A_19 : i32
    %ne3A_21 = arith.constant 0 : i32
    %ne3A_22 = arith.cmpi ne, %rem3A_20, %ne3A_21 : i32
    %lt3A = arith.constant 0 : i32
    %lt3A_23 = arith.cmpi slt, %rem3A_20, %lt3A : i32
    %lt3A_24 = arith.constant 0 : i32
    %lt3A_25 = arith.cmpi slt, %select_n3A_19, %lt3A_24 : i32
    %ne3A_26 = arith.xori %lt3A_23, %lt3A_25 : i1
    %and3A_27 = arith.andi %ne3A_26, %ne3A_22 : i1
    %add3A = arith.addi %rem3A_20, %select_n3A_19 : i32
    %select_n3A_28 = arith.select %and3A_27, %add3A, %rem3A_20 : i32
    %mul3A = arith.constant 2 : i32
    %mul3A_29 = arith.muli %arg0, %mul3A : i32
    %add3A_30 = arith.addi %mul3A_29, %select_n3A : i32
    %mul3A_31 = arith.constant 8192 : i32
    %mul3A_32 = arith.muli %add3A_30, %mul3A_31 : i32
    %add3A_33 = arith.constant 4096 : i32
    %add3A_34 = arith.addi %mul3A_32, %add3A_33 : i32
    %mul3A_35 = arith.constant 512 : i32
    %mul3A_36 = arith.muli %select_n3A_28, %mul3A_35 : i32
    %add3A_37 = arith.addi %add3A_34, %mul3A_36 : i32
    %scan3A = arith.constant 0 : i32
    %scan3A_38 = arith.constant 0 : i32
    %scan3A_39 = arith.constant 96 : i32
    %scan3A_40 = arith.addi %scan3A_38, %scan3A_39 : i32
    %scan3A_41 = arith.constant 1 : i32
    %scan3A_42 = scf.for %scan3A_79 = %scan3A_38 to %scan3A_40 step %scan3A_41 iter_args(%scan3A_80 = %scan3A) -> (i32)  : i32 {
      %broadcast_in_dim3A = arith.constant 0xFF800000 : f32
      %broadcast_in_dim3A_81 = vector.broadcast %broadcast_in_dim3A : f32 to vector<16xf32>
      %mul3A_82 = arith.constant 16 : i32
      %mul3A_83 = arith.muli %scan3A_79, %mul3A_82 : i32
      %swap3A = arith.index_cast %mul3A_83 : i32 to index
      %swap3A_84 = tpu.vector_load %arg7[%swap3A] {strides = array<i32>} : memref<1536xf32, #tpu.memory_space<vmem>>, vector<16xf32>,
      %swap3A_85 = vector.shape_cast %swap3A_84 : vector<16xf32> to vector<16xf32>
      %swap3A_86 = vector.shape_cast %broadcast_in_dim3A_81 : vector<16xf32> to vector<16xf32>
      tpu.vector_store %arg7[%swap3A], %swap3A_86 {strides = array<i32>} : memref<1536xf32, #tpu.memory_space<vmem>>, vector<16xf32>,
      %scan3A_87 = arith.constant 0 : i32
      scf.yield %scan3A_87 : i32
    }
    %scan3A_43 = arith.constant 96 : i32
    %multiple_of3A = tpu.assume_multiple %add3A_37, 64 : i32
    %dma_start3A = arith.constant 0 : i32
    %dma_start3A_44 = tpu.memref_slice %arg2[%multiple_of3A, %dma_start3A] : memref<32768x768xf32, #tpu.memory_space<hbm>> -> memref<64x768xf32, #tpu.memory_space<hbm>>
    %dma_start3A_45 = arith.constant 0 : i32
    %dma_start3A_46 = tpu.memref_slice %arg2[%multiple_of3A, %dma_start3A_45] : memref<32768x768xf32, #tpu.memory_space<hbm>> -> memref<64x768xf32, #tpu.memory_space<hbm>>
    tpu.enqueue_dma source(%dma_start3A_46 : memref<64x768xf32, #tpu.memory_space<hbm>>) target(%arg5 : memref<64x768xf32, #tpu.memory_space<vmem>>) target_semaphore(%arg12 : memref<!tpu.dma_semaphore, #tpu.memory_space<semaphore_mem>>)
    %scan3A_47 = arith.constant 0 : i32
    %scan3A_48 = arith.constant 0 : i32
    %scan3A_49 = arith.constant 4 : i32
    %scan3A_50 = arith.addi %scan3A_48, %scan3A_49 : i32
    %scan3A_51 = arith.constant 1 : i32
    %scan3A_52 = scf.for %scan3A_79 = %scan3A_48 to %scan3A_50 step %scan3A_51 iter_args(%scan3A_80 = %scan3A_47) -> (i32)  : i32 {
      %mul3A_81 = arith.constant 2 : i32
      %mul3A_82 = arith.muli %scan3A_79, %mul3A_81 : i32
      %add3A_83 = arith.constant 0 : i32
      %add3A_84 = arith.addi %mul3A_82, %add3A_83 : i32
      %add3A_85 = arith.constant 1 : i32
      %add3A_86 = arith.addi %add3A_84, %add3A_85 : i32
      %lt3A_87 = arith.constant 8 : i32
      %lt3A_88 = arith.cmpi slt, %add3A_86, %lt3A_87 : i32
      %convert_element_type3A = arith.extui %lt3A_88 : i1 to i32
      %cond3A = arith.constant 0 : i32
      %cond3A_89 = arith.cmpi ne, %convert_element_type3A, %cond3A : i32
      scf.if %cond3A_89 {
        %add3A_127 = arith.constant 1 : i32
        %add3A_128 = arith.addi %add3A_84, %add3A_127 : i32
        %mul3A_129 = arith.constant 64 : i32
        %mul3A_130 = arith.muli %add3A_128, %mul3A_129 : i32
        %add3A_131 = arith.addi %add3A_37, %mul3A_130 : i32
        %multiple_of3A_132 = tpu.assume_multiple %add3A_131, 64 : i32
        %dma_start3A_133 = arith.constant 0 : i32
        %dma_start3A_134 = tpu.memref_slice %arg2[%multiple_of3A_132, %dma_start3A_133] : memref<32768x768xf32, #tpu.memory_space<hbm>> -> memref<64x768xf32, #tpu.memory_space<hbm>>
        %dma_start3A_135 = arith.constant 0 : i32
        %dma_start3A_136 = tpu.memref_slice %arg2[%multiple_of3A_132, %dma_start3A_135] : memref<32768x768xf32, #tpu.memory_space<hbm>> -> memref<64x768xf32, #tpu.memory_space<hbm>>
        tpu.enqueue_dma source(%dma_start3A_136 : memref<64x768xf32, #tpu.memory_space<hbm>>) target(%arg6 : memref<64x768xf32, #tpu.memory_space<vmem>>) target_semaphore(%arg13 : memref<!tpu.dma_semaphore, #tpu.memory_space<semaphore_mem>>)
      } else {
      }
      %dma_wait3A = arith.constant 0 : i32
      %dma_wait3A_90 = arith.constant 0 : i32
      %dma_wait3A_91 = tpu.memref_slice %arg2[%dma_wait3A, %dma_wait3A_90] : memref<32768x768xf32, #tpu.memory_space<hbm>> -> memref<64x768xf32, #tpu.memory_space<hbm>>
      %dma_wait3A_92 = arith.constant 0 : i32
      %dma_wait3A_93 = arith.constant 0 : i32
      %dma_wait3A_94 = tpu.memref_slice %arg2[%dma_wait3A_92, %dma_wait3A_93] : memref<32768x768xf32, #tpu.memory_space<hbm>> -> memref<64x768xf32, #tpu.memory_space<hbm>>
      tpu.wait_dma2 semaphore(%arg12 : memref<!tpu.dma_semaphore, #tpu.memory_space<semaphore_mem>>) src(%dma_wait3A_94 : memref<64x768xf32, #tpu.memory_space<hbm>>) dst(%arg5 : memref<64x768xf32, #tpu.memory_space<vmem>>)
      %scan3A_95 = arith.constant 0 : i32
      %scan3A_96 = arith.constant 0 : i32
      %scan3A_97 = arith.constant 48 : i32
      %scan3A_98 = arith.addi %scan3A_96, %scan3A_97 : i32
      %scan3A_99 = arith.constant 1 : i32
      %scan3A_100 = scf.for %scan3A_127 = %scan3A_96 to %scan3A_98 step %scan3A_99 iter_args(%scan3A_128 = %scan3A_95) -> (i32)  : i32 {
        %mul3A_129 = arith.constant 16 : i32
        %mul3A_130 = arith.muli %scan3A_127, %mul3A_129 : i32
        %get3A = arith.index_cast %mul3A_130 : i32 to index
        %get3A_131 = tpu.vector_load %arg7[%get3A] {strides = array<i32>} : memref<1536xf32, #tpu.memory_space<vmem>>, vector<16xf32>,
        %get3A_132 = vector.shape_cast %get3A_131 : vector<16xf32> to vector<16xf32>
        %add3A_133 = arith.constant 768 : i32
        %add3A_134 = arith.addi %add3A_133, %mul3A_130 : i32
        %get3A_135 = arith.index_cast %add3A_134 : i32 to index
        %get3A_136 = tpu.vector_load %arg7[%get3A_135] {strides = array<i32>} : memref<1536xf32, #tpu.memory_space<vmem>>, vector<16xf32>,
        %get3A_137 = vector.shape_cast %get3A_136 : vector<16xf32> to vector<16xf32>
        %scan3A_138 = arith.constant 0 : i32
        %scan3A_139 = arith.constant 8 : i32
        %scan3A_140 = arith.addi %scan3A_138, %scan3A_139 : i32
        %scan3A_141 = arith.constant 1 : i32
        %scan3A_142:2 = scf.for %scan3A_154 = %scan3A_138 to %scan3A_140 step %scan3A_141 iter_args(%scan3A_155 = %get3A_132, %scan3A_156 = %get3A_137) -> (vector<16xf32>, vector<16xf32>)  : i32 {
          %mul3A_157 = arith.constant 8 : i32
          %mul3A_158 = arith.muli %scan3A_154, %mul3A_157 : i32
          %add3A_159 = arith.constant 0 : i32
          %add3A_160 = arith.addi %mul3A_158, %add3A_159 : i32
          %get3A_161 = arith.index_cast %add3A_160 : i32 to index
          %get3A_162 = arith.index_cast %mul3A_130 : i32 to index
          %get3A_163 = tpu.vector_load %arg5[%get3A_161, %get3A_162] {strides = array<i32>} : memref<64x768xf32, #tpu.memory_space<vmem>>, vector<1x16xf32>,
          %get3A_164 = vector.shape_cast %get3A_163 : vector<1x16xf32> to vector<16xf32>
          %min3A = arith.minimumf %scan3A_155, %get3A_164 : vector<16xf32>
          %max3A = arith.maximumf %scan3A_156, %min3A : vector<16xf32>
          %max3A_165 = arith.maximumf %scan3A_155, %get3A_164 : vector<16xf32>
          %mul3A_166 = arith.constant 8 : i32
          %mul3A_167 = arith.muli %scan3A_154, %mul3A_166 : i32
          %add3A_168 = arith.constant 1 : i32
          %add3A_169 = arith.addi %mul3A_167, %add3A_168 : i32
          %get3A_170 = arith.index_cast %add3A_169 : i32 to index
          %get3A_171 = arith.index_cast %mul3A_130 : i32 to index
          %get3A_172 = tpu.vector_load %arg5[%get3A_170, %get3A_171] {strides = array<i32>} : memref<64x768xf32, #tpu.memory_space<vmem>>, vector<1x16xf32>,
          %get3A_173 = vector.shape_cast %get3A_172 : vector<1x16xf32> to vector<16xf32>
          %min3A_174 = arith.minimumf %max3A_165, %get3A_173 : vector<16xf32>
          %max3A_175 = arith.maximumf %max3A, %min3A_174 : vector<16xf32>
          %max3A_176 = arith.maximumf %max3A_165, %get3A_173 : vector<16xf32>
          %mul3A_177 = arith.constant 8 : i32
          %mul3A_178 = arith.muli %scan3A_154, %mul3A_177 : i32
          %add3A_179 = arith.constant 2 : i32
          %add3A_180 = arith.addi %mul3A_178, %add3A_179 : i32
          %get3A_181 = arith.index_cast %add3A_180 : i32 to index
          %get3A_182 = arith.index_cast %mul3A_130 : i32 to index
          %get3A_183 = tpu.vector_load %arg5[%get3A_181, %get3A_182] {strides = array<i32>} : memref<64x768xf32, #tpu.memory_space<vmem>>, vector<1x16xf32>,
          %get3A_184 = vector.shape_cast %get3A_183 : vector<1x16xf32> to vector<16xf32>
          %min3A_185 = arith.minimumf %max3A_176, %get3A_184 : vector<16xf32>
          %max3A_186 = arith.maximumf %max3A_175, %min3A_185 : vector<16xf32>
          %max3A_187 = arith.maximumf %max3A_176, %get3A_184 : vector<16xf32>
          %mul3A_188 = arith.constant 8 : i32
          %mul3A_189 = arith.muli %scan3A_154, %mul3A_188 : i32
          %add3A_190 = arith.constant 3 : i32
          %add3A_191 = arith.addi %mul3A_189, %add3A_190 : i32
          %get3A_192 = arith.index_cast %add3A_191 : i32 to index
          %get3A_193 = arith.index_cast %mul3A_130 : i32 to index
          %get3A_194 = tpu.vector_load %arg5[%get3A_192, %get3A_193] {strides = array<i32>} : memref<64x768xf32, #tpu.memory_space<vmem>>, vector<1x16xf32>,
          %get3A_195 = vector.shape_cast %get3A_194 : vector<1x16xf32> to vector<16xf32>
          %min3A_196 = arith.minimumf %max3A_187, %get3A_195 : vector<16xf32>
          %max3A_197 = arith.maximumf %max3A_186, %min3A_196 : vector<16xf32>
          %max3A_198 = arith.maximumf %max3A_187, %get3A_195 : vector<16xf32>
          %mul3A_199 = arith.constant 8 : i32
          %mul3A_200 = arith.muli %scan3A_154, %mul3A_199 : i32
          %add3A_201 = arith.constant 4 : i32
          %add3A_202 = arith.addi %mul3A_200, %add3A_201 : i32
          %get3A_203 = arith.index_cast %add3A_202 : i32 to index
          %get3A_204 = arith.index_cast %mul3A_130 : i32 to index
          %get3A_205 = tpu.vector_load %arg5[%get3A_203, %get3A_204] {strides = array<i32>} : memref<64x768xf32, #tpu.memory_space<vmem>>, vector<1x16xf32>,
          %get3A_206 = vector.shape_cast %get3A_205 : vector<1x16xf32> to vector<16xf32>
          %min3A_207 = arith.minimumf %max3A_198, %get3A_206 : vector<16xf32>
          %max3A_208 = arith.maximumf %max3A_197, %min3A_207 : vector<16xf32>
          %max3A_209 = arith.maximumf %max3A_198, %get3A_206 : vector<16xf32>
          %mul3A_210 = arith.constant 8 : i32
          %mul3A_211 = arith.muli %scan3A_154, %mul3A_210 : i32
          %add3A_212 = arith.constant 5 : i32
          %add3A_213 = arith.addi %mul3A_211, %add3A_212 : i32
          %get3A_214 = arith.index_cast %add3A_213 : i32 to index
          %get3A_215 = arith.index_cast %mul3A_130 : i32 to index
          %get3A_216 = tpu.vector_load %arg5[%get3A_214, %get3A_215] {strides = array<i32>} : memref<64x768xf32, #tpu.memory_space<vmem>>, vector<1x16xf32>,
          %get3A_217 = vector.shape_cast %get3A_216 : vector<1x16xf32> to vector<16xf32>
          %min3A_218 = arith.minimumf %max3A_209, %get3A_217 : vector<16xf32>
          %max3A_219 = arith.maximumf %max3A_208, %min3A_218 : vector<16xf32>
          %max3A_220 = arith.maximumf %max3A_209, %get3A_217 : vector<16xf32>
          %mul3A_221 = arith.constant 8 : i32
          %mul3A_222 = arith.muli %scan3A_154, %mul3A_221 : i32
          %add3A_223 = arith.constant 6 : i32
          %add3A_224 = arith.addi %mul3A_222, %add3A_223 : i32
          %get3A_225 = arith.index_cast %add3A_224 : i32 to index
          %get3A_226 = arith.index_cast %mul3A_130 : i32 to index
          %get3A_227 = tpu.vector_load %arg5[%get3A_225, %get3A_226] {strides = array<i32>} : memref<64x768xf32, #tpu.memory_space<vmem>>, vector<1x16xf32>,
          %get3A_228 = vector.shape_cast %get3A_227 : vector<1x16xf32> to vector<16xf32>
          %min3A_229 = arith.minimumf %max3A_220, %get3A_228 : vector<16xf32>
          %max3A_230 = arith.maximumf %max3A_219, %min3A_229 : vector<16xf32>
          %max3A_231 = arith.maximumf %max3A_220, %get3A_228 : vector<16xf32>
          %mul3A_232 = arith.constant 8 : i32
          %mul3A_233 = arith.muli %scan3A_154, %mul3A_232 : i32
          %add3A_234 = arith.constant 7 : i32
          %add3A_235 = arith.addi %mul3A_233, %add3A_234 : i32
          %get3A_236 = arith.index_cast %add3A_235 : i32 to index
          %get3A_237 = arith.index_cast %mul3A_130 : i32 to index
          %get3A_238 = tpu.vector_load %arg5[%get3A_236, %get3A_237] {strides = array<i32>} : memref<64x768xf32, #tpu.memory_space<vmem>>, vector<1x16xf32>,
          %get3A_239 = vector.shape_cast %get3A_238 : vector<1x16xf32> to vector<16xf32>
          %min3A_240 = arith.minimumf %max3A_231, %get3A_239 : vector<16xf32>
          %max3A_241 = arith.maximumf %max3A_230, %min3A_240 : vector<16xf32>
          %max3A_242 = arith.maximumf %max3A_231, %get3A_239 : vector<16xf32>
          scf.yield %max3A_242, %max3A_241 : vector<16xf32>, vector<16xf32>
        }
        %scan3A_143 = arith.constant 8 : i32
        %swap3A = arith.index_cast %mul3A_130 : i32 to index
        %swap3A_144 = tpu.vector_load %arg7[%swap3A] {strides = array<i32>} : memref<1536xf32, #tpu.memory_space<vmem>>, vector<16xf32>,
        %swap3A_145 = vector.shape_cast %swap3A_144 : vector<16xf32> to vector<16xf32>
        %swap3A_146 = vector.shape_cast %scan3A_142#0 : vector<16xf32> to vector<16xf32>
        tpu.vector_store %arg7[%swap3A], %swap3A_146 {strides = array<i32>} : memref<1536xf32, #tpu.memory_space<vmem>>, vector<16xf32>,
        %add3A_147 = arith.constant 768 : i32
        %add3A_148 = arith.addi %add3A_147, %mul3A_130 : i32
        %swap3A_149 = arith.index_cast %add3A_148 : i32 to index
        %swap3A_150 = tpu.vector_load %arg7[%swap3A_149] {strides = array<i32>} : memref<1536xf32, #tpu.memory_space<vmem>>, vector<16xf32>,
        %swap3A_151 = vector.shape_cast %swap3A_150 : vector<16xf32> to vector<16xf32>
        %swap3A_152 = vector.shape_cast %scan3A_142#1 : vector<16xf32> to vector<16xf32>
        tpu.vector_store %arg7[%swap3A_149], %swap3A_152 {strides = array<i32>} : memref<1536xf32, #tpu.memory_space<vmem>>, vector<16xf32>,
        %scan3A_153 = arith.constant 0 : i32
        scf.yield %scan3A_153 : i32
      }
      %scan3A_101 = arith.constant 48 : i32
      %mul3A_102 = arith.constant 2 : i32
      %mul3A_103 = arith.muli %scan3A_79, %mul3A_102 : i32
      %add3A_104 = arith.constant 1 : i32
      %add3A_105 = arith.addi %mul3A_103, %add3A_104 : i32
      %add3A_106 = arith.constant 1 : i32
      %add3A_107 = arith.addi %add3A_105, %add3A_106 : i32
      %lt3A_108 = arith.constant 8 : i32
      %lt3A_109 = arith.cmpi slt, %add3A_107, %lt3A_108 : i32
      %convert_element_type3A_110 = arith.extui %lt3A_109 : i1 to i32
      %cond3A_111 = arith.constant 0 : i32
      %cond3A_112 = arith.cmpi ne, %convert_element_type3A_110, %cond3A_111 : i32
      scf.if %cond3A_112 {
        %add3A_127 = arith.constant 1 : i32
        %add3A_128 = arith.addi %add3A_105, %add3A_127 : i32
        %mul3A_129 = arith.constant 64 : i32
        %mul3A_130 = arith.muli %add3A_128, %mul3A_129 : i32
        %add3A_131 = arith.addi %add3A_37, %mul3A_130 : i32
        %multiple_of3A_132 = tpu.assume_multiple %add3A_131, 64 : i32
        %dma_start3A_133 = arith.constant 0 : i32
        %dma_start3A_134 = tpu.memref_slice %arg2[%multiple_of3A_132, %dma_start3A_133] : memref<32768x768xf32, #tpu.memory_space<hbm>> -> memref<64x768xf32, #tpu.memory_space<hbm>>
        %dma_start3A_135 = arith.constant 0 : i32
        %dma_start3A_136 = tpu.memref_slice %arg2[%multiple_of3A_132, %dma_start3A_135] : memref<32768x768xf32, #tpu.memory_space<hbm>> -> memref<64x768xf32, #tpu.memory_space<hbm>>
        tpu.enqueue_dma source(%dma_start3A_136 : memref<64x768xf32, #tpu.memory_space<hbm>>) target(%arg5 : memref<64x768xf32, #tpu.memory_space<vmem>>) target_semaphore(%arg12 : memref<!tpu.dma_semaphore, #tpu.memory_space<semaphore_mem>>)
      } else {
      }
      %dma_wait3A_113 = arith.constant 0 : i32
      %dma_wait3A_114 = arith.constant 0 : i32
      %dma_wait3A_115 = tpu.memref_slice %arg2[%dma_wait3A_113, %dma_wait3A_114] : memref<32768x768xf32, #tpu.memory_space<hbm>> -> memref<64x768xf32, #tpu.memory_space<hbm>>
      %dma_wait3A_116 = arith.constant 0 : i32
      %dma_wait3A_117 = arith.constant 0 : i32
      %dma_wait3A_118 = tpu.memref_slice %arg2[%dma_wait3A_116, %dma_wait3A_117] : memref<32768x768xf32, #tpu.memory_space<hbm>> -> memref<64x768xf32, #tpu.memory_space<hbm>>
      tpu.wait_dma2 semaphore(%arg13 : memref<!tpu.dma_semaphore, #tpu.memory_space<semaphore_mem>>) src(%dma_wait3A_118 : memref<64x768xf32, #tpu.memory_space<hbm>>) dst(%arg6 : memref<64x768xf32, #tpu.memory_space<vmem>>)
      %scan3A_119 = arith.constant 0 : i32
      %scan3A_120 = arith.constant 0 : i32
      %scan3A_121 = arith.constant 48 : i32
      %scan3A_122 = arith.addi %scan3A_120, %scan3A_121 : i32
      %scan3A_123 = arith.constant 1 : i32
      %scan3A_124 = scf.for %scan3A_127 = %scan3A_120 to %scan3A_122 step %scan3A_123 iter_args(%scan3A_128 = %scan3A_119) -> (i32)  : i32 {
        %mul3A_129 = arith.constant 16 : i32
        %mul3A_130 = arith.muli %scan3A_127, %mul3A_129 : i32
        %get3A = arith.index_cast %mul3A_130 : i32 to index
        %get3A_131 = tpu.vector_load %arg7[%get3A] {strides = array<i32>} : memref<1536xf32, #tpu.memory_space<vmem>>, vector<16xf32>,
        %get3A_132 = vector.shape_cast %get3A_131 : vector<16xf32> to vector<16xf32>
        %add3A_133 = arith.constant 768 : i32
        %add3A_134 = arith.addi %add3A_133, %mul3A_130 : i32
        %get3A_135 = arith.index_cast %add3A_134 : i32 to index
        %get3A_136 = tpu.vector_load %arg7[%get3A_135] {strides = array<i32>} : memref<1536xf32, #tpu.memory_space<vmem>>, vector<16xf32>,
        %get3A_137 = vector.shape_cast %get3A_136 : vector<16xf32> to vector<16xf32>
        %scan3A_138 = arith.constant 0 : i32
        %scan3A_139 = arith.constant 8 : i32
        %scan3A_140 = arith.addi %scan3A_138, %scan3A_139 : i32
        %scan3A_141 = arith.constant 1 : i32
        %scan3A_142:2 = scf.for %scan3A_154 = %scan3A_138 to %scan3A_140 step %scan3A_141 iter_args(%scan3A_155 = %get3A_132, %scan3A_156 = %get3A_137) -> (vector<16xf32>, vector<16xf32>)  : i32 {
          %mul3A_157 = arith.constant 8 : i32
          %mul3A_158 = arith.muli %scan3A_154, %mul3A_157 : i32
          %add3A_159 = arith.constant 0 : i32
          %add3A_160 = arith.addi %mul3A_158, %add3A_159 : i32
          %get3A_161 = arith.index_cast %add3A_160 : i32 to index
          %get3A_162 = arith.index_cast %mul3A_130 : i32 to index
          %get3A_163 = tpu.vector_load %arg6[%get3A_161, %get3A_162] {strides = array<i32>} : memref<64x768xf32, #tpu.memory_space<vmem>>, vector<1x16xf32>,
          %get3A_164 = vector.shape_cast %get3A_163 : vector<1x16xf32> to vector<16xf32>
          %min3A = arith.minimumf %scan3A_155, %get3A_164 : vector<16xf32>
          %max3A = arith.maximumf %scan3A_156, %min3A : vector<16xf32>
          %max3A_165 = arith.maximumf %scan3A_155, %get3A_164 : vector<16xf32>
          %mul3A_166 = arith.constant 8 : i32
          %mul3A_167 = arith.muli %scan3A_154, %mul3A_166 : i32
          %add3A_168 = arith.constant 1 : i32
          %add3A_169 = arith.addi %mul3A_167, %add3A_168 : i32
          %get3A_170 = arith.index_cast %add3A_169 : i32 to index
          %get3A_171 = arith.index_cast %mul3A_130 : i32 to index
          %get3A_172 = tpu.vector_load %arg6[%get3A_170, %get3A_171] {strides = array<i32>} : memref<64x768xf32, #tpu.memory_space<vmem>>, vector<1x16xf32>,
          %get3A_173 = vector.shape_cast %get3A_172 : vector<1x16xf32> to vector<16xf32>
          %min3A_174 = arith.minimumf %max3A_165, %get3A_173 : vector<16xf32>
          %max3A_175 = arith.maximumf %max3A, %min3A_174 : vector<16xf32>
          %max3A_176 = arith.maximumf %max3A_165, %get3A_173 : vector<16xf32>
          %mul3A_177 = arith.constant 8 : i32
          %mul3A_178 = arith.muli %scan3A_154, %mul3A_177 : i32
          %add3A_179 = arith.constant 2 : i32
          %add3A_180 = arith.addi %mul3A_178, %add3A_179 : i32
          %get3A_181 = arith.index_cast %add3A_180 : i32 to index
          %get3A_182 = arith.index_cast %mul3A_130 : i32 to index
          %get3A_183 = tpu.vector_load %arg6[%get3A_181, %get3A_182] {strides = array<i32>} : memref<64x768xf32, #tpu.memory_space<vmem>>, vector<1x16xf32>,
          %get3A_184 = vector.shape_cast %get3A_183 : vector<1x16xf32> to vector<16xf32>
          %min3A_185 = arith.minimumf %max3A_176, %get3A_184 : vector<16xf32>
          %max3A_186 = arith.maximumf %max3A_175, %min3A_185 : vector<16xf32>
          %max3A_187 = arith.maximumf %max3A_176, %get3A_184 : vector<16xf32>
          %mul3A_188 = arith.constant 8 : i32
          %mul3A_189 = arith.muli %scan3A_154, %mul3A_188 : i32
          %add3A_190 = arith.constant 3 : i32
          %add3A_191 = arith.addi %mul3A_189, %add3A_190 : i32
          %get3A_192 = arith.index_cast %add3A_191 : i32 to index
          %get3A_193 = arith.index_cast %mul3A_130 : i32 to index
          %get3A_194 = tpu.vector_load %arg6[%get3A_192, %get3A_193] {strides = array<i32>} : memref<64x768xf32, #tpu.memory_space<vmem>>, vector<1x16xf32>,
          %get3A_195 = vector.shape_cast %get3A_194 : vector<1x16xf32> to vector<16xf32>
          %min3A_196 = arith.minimumf %max3A_187, %get3A_195 : vector<16xf32>
          %max3A_197 = arith.maximumf %max3A_186, %min3A_196 : vector<16xf32>
          %max3A_198 = arith.maximumf %max3A_187, %get3A_195 : vector<16xf32>
          %mul3A_199 = arith.constant 8 : i32
          %mul3A_200 = arith.muli %scan3A_154, %mul3A_199 : i32
          %add3A_201 = arith.constant 4 : i32
          %add3A_202 = arith.addi %mul3A_200, %add3A_201 : i32
          %get3A_203 = arith.index_cast %add3A_202 : i32 to index
          %get3A_204 = arith.index_cast %mul3A_130 : i32 to index
          %get3A_205 = tpu.vector_load %arg6[%get3A_203, %get3A_204] {strides = array<i32>} : memref<64x768xf32, #tpu.memory_space<vmem>>, vector<1x16xf32>,
          %get3A_206 = vector.shape_cast %get3A_205 : vector<1x16xf32> to vector<16xf32>
          %min3A_207 = arith.minimumf %max3A_198, %get3A_206 : vector<16xf32>
          %max3A_208 = arith.maximumf %max3A_197, %min3A_207 : vector<16xf32>
          %max3A_209 = arith.maximumf %max3A_198, %get3A_206 : vector<16xf32>
          %mul3A_210 = arith.constant 8 : i32
          %mul3A_211 = arith.muli %scan3A_154, %mul3A_210 : i32
          %add3A_212 = arith.constant 5 : i32
          %add3A_213 = arith.addi %mul3A_211, %add3A_212 : i32
          %get3A_214 = arith.index_cast %add3A_213 : i32 to index
          %get3A_215 = arith.index_cast %mul3A_130 : i32 to index
          %get3A_216 = tpu.vector_load %arg6[%get3A_214, %get3A_215] {strides = array<i32>} : memref<64x768xf32, #tpu.memory_space<vmem>>, vector<1x16xf32>,
          %get3A_217 = vector.shape_cast %get3A_216 : vector<1x16xf32> to vector<16xf32>
          %min3A_218 = arith.minimumf %max3A_209, %get3A_217 : vector<16xf32>
          %max3A_219 = arith.maximumf %max3A_208, %min3A_218 : vector<16xf32>
          %max3A_220 = arith.maximumf %max3A_209, %get3A_217 : vector<16xf32>
          %mul3A_221 = arith.constant 8 : i32
          %mul3A_222 = arith.muli %scan3A_154, %mul3A_221 : i32
          %add3A_223 = arith.constant 6 : i32
          %add3A_224 = arith.addi %mul3A_222, %add3A_223 : i32
          %get3A_225 = arith.index_cast %add3A_224 : i32 to index
          %get3A_226 = arith.index_cast %mul3A_130 : i32 to index
          %get3A_227 = tpu.vector_load %arg6[%get3A_225, %get3A_226] {strides = array<i32>} : memref<64x768xf32, #tpu.memory_space<vmem>>, vector<1x16xf32>,
          %get3A_228 = vector.shape_cast %get3A_227 : vector<1x16xf32> to vector<16xf32>
          %min3A_229 = arith.minimumf %max3A_220, %get3A_228 : vector<16xf32>
          %max3A_230 = arith.maximumf %max3A_219, %min3A_229 : vector<16xf32>
          %max3A_231 = arith.maximumf %max3A_220, %get3A_228 : vector<16xf32>
          %mul3A_232 = arith.constant 8 : i32
          %mul3A_233 = arith.muli %scan3A_154, %mul3A_232 : i32
          %add3A_234 = arith.constant 7 : i32
          %add3A_235 = arith.addi %mul3A_233, %add3A_234 : i32
          %get3A_236 = arith.index_cast %add3A_235 : i32 to index
          %get3A_237 = arith.index_cast %mul3A_130 : i32 to index
          %get3A_238 = tpu.vector_load %arg6[%get3A_236, %get3A_237] {strides = array<i32>} : memref<64x768xf32, #tpu.memory_space<vmem>>, vector<1x16xf32>,
          %get3A_239 = vector.shape_cast %get3A_238 : vector<1x16xf32> to vector<16xf32>
          %min3A_240 = arith.minimumf %max3A_231, %get3A_239 : vector<16xf32>
          %max3A_241 = arith.maximumf %max3A_230, %min3A_240 : vector<16xf32>
          %max3A_242 = arith.maximumf %max3A_231, %get3A_239 : vector<16xf32>
          scf.yield %max3A_242, %max3A_241 : vector<16xf32>, vector<16xf32>
        }
        %scan3A_143 = arith.constant 8 : i32
        %swap3A = arith.index_cast %mul3A_130 : i32 to index
        %swap3A_144 = tpu.vector_load %arg7[%swap3A] {strides = array<i32>} : memref<1536xf32, #tpu.memory_space<vmem>>, vector<16xf32>,
        %swap3A_145 = vector.shape_cast %swap3A_144 : vector<16xf32> to vector<16xf32>
        %swap3A_146 = vector.shape_cast %scan3A_142#0 : vector<16xf32> to vector<16xf32>
        tpu.vector_store %arg7[%swap3A], %swap3A_146 {strides = array<i32>} : memref<1536xf32, #tpu.memory_space<vmem>>, vector<16xf32>,
        %add3A_147 = arith.constant 768 : i32
        %add3A_148 = arith.addi %add3A_147, %mul3A_130 : i32
        %swap3A_149 = arith.index_cast %add3A_148 : i32 to index
        %swap3A_150 = tpu.vector_load %arg7[%swap3A_149] {strides = array<i32>} : memref<1536xf32, #tpu.memory_space<vmem>>, vector<16xf32>,
        %swap3A_151 = vector.shape_cast %swap3A_150 : vector<16xf32> to vector<16xf32>
        %swap3A_152 = vector.shape_cast %scan3A_142#1 : vector<16xf32> to vector<16xf32>
        tpu.vector_store %arg7[%swap3A_149], %swap3A_152 {strides = array<i32>} : memref<1536xf32, #tpu.memory_space<vmem>>, vector<16xf32>,
        %scan3A_153 = arith.constant 0 : i32
        scf.yield %scan3A_153 : i32
      }
      %scan3A_125 = arith.constant 48 : i32
      %scan3A_126 = arith.constant 0 : i32
      scf.yield %scan3A_126 : i32
    }
    %scan3A_53 = arith.constant 4 : i32
    %mul3A_54 = arith.constant 2 : i32
    %mul3A_55 = arith.muli %arg1, %mul3A_54 : i32
    %mul3A_56 = arith.constant 768 : i32
    %mul3A_57 = arith.muli %mul3A_55, %mul3A_56 : i32
    %multiple_of3A_58 = tpu.assume_multiple %mul3A_57, 8 : i32
    "tpu.region"() ({
      %run_scoped3A = tpu.sem_alloc : memref<!tpu.dma_semaphore, #tpu.memory_space<semaphore_mem>>
      %dma_start3A_79 = tpu.memref_slice %arg8[%multiple_of3A_58] : memref<24576xf32, #tpu.memory_space<vmem_shared>> -> memref<1536xf32, #tpu.memory_space<vmem_shared>>
      %dma_start3A_80 = tpu.memref_slice %arg8[%multiple_of3A_58] : memref<24576xf32, #tpu.memory_space<vmem_shared>> -> memref<1536xf32, #tpu.memory_space<vmem_shared>>
      tpu.enqueue_dma source(%arg7 : memref<1536xf32, #tpu.memory_space<vmem>>) target(%dma_start3A_80 : memref<1536xf32, #tpu.memory_space<vmem_shared>>) target_semaphore(%run_scoped3A : memref<!tpu.dma_semaphore, #tpu.memory_space<semaphore_mem>>)
      %dma_wait3A = tpu.memref_slice %arg8[%multiple_of3A_58] : memref<24576xf32, #tpu.memory_space<vmem_shared>> -> memref<1536xf32, #tpu.memory_space<vmem_shared>>
      %dma_wait3A_81 = tpu.memref_slice %arg8[%multiple_of3A_58] : memref<24576xf32, #tpu.memory_space<vmem_shared>> -> memref<1536xf32, #tpu.memory_space<vmem_shared>>
      tpu.wait_dma2 semaphore(%run_scoped3A : memref<!tpu.dma_semaphore, #tpu.memory_space<semaphore_mem>>) src(%arg7 : memref<1536xf32, #tpu.memory_space<vmem>>) dst(%dma_wait3A_81 : memref<1536xf32, #tpu.memory_space<vmem_shared>>)
      tpu.yield
    }) : () -> ()
    %barrier3A = arith.constant 0 : index
    tpu.barrier barrier_id(%barrier3A)
    %mul3A_59 = arith.constant 8 : i32
    %mul3A_60 = arith.muli %select_n3A, %mul3A_59 : i32
    %mul3A_61 = arith.constant 2 : i32
    %mul3A_62 = arith.muli %mul3A_60, %mul3A_61 : i32
    %mul3A_63 = arith.constant 768 : i32
    %mul3A_64 = arith.muli %mul3A_62, %mul3A_63 : i32
    %multiple_of3A_65 = tpu.assume_multiple %mul3A_64, 8 : i32
    "tpu.region"() ({
      %run_scoped3A = tpu.sem_alloc : memref<!tpu.dma_semaphore, #tpu.memory_space<semaphore_mem>>
      %dma_start3A_79 = tpu.memref_slice %arg8[%multiple_of3A_65] : memref<24576xf32, #tpu.memory_space<vmem_shared>> -> memref<12288xf32, #tpu.memory_space<vmem_shared>>
      %dma_start3A_80 = tpu.memref_slice %arg8[%multiple_of3A_65] : memref<24576xf32, #tpu.memory_space<vmem_shared>> -> memref<12288xf32, #tpu.memory_space<vmem_shared>>
      tpu.enqueue_dma source(%dma_start3A_80 : memref<12288xf32, #tpu.memory_space<vmem_shared>>) target(%arg9 : memref<12288xf32, #tpu.memory_space<vmem>>) target_semaphore(%run_scoped3A : memref<!tpu.dma_semaphore, #tpu.memory_space<semaphore_mem>>)
      %dma_wait3A = tpu.memref_slice %arg8[%multiple_of3A_65] : memref<24576xf32, #tpu.memory_space<vmem_shared>> -> memref<12288xf32, #tpu.memory_space<vmem_shared>>
      %dma_wait3A_81 = tpu.memref_slice %arg8[%multiple_of3A_65] : memref<24576xf32, #tpu.memory_space<vmem_shared>> -> memref<12288xf32, #tpu.memory_space<vmem_shared>>
      tpu.wait_dma2 semaphore(%run_scoped3A : memref<!tpu.dma_semaphore, #tpu.memory_space<semaphore_mem>>) src(%dma_wait3A_81 : memref<12288xf32, #tpu.memory_space<vmem_shared>>) dst(%arg9 : memref<12288xf32, #tpu.memory_space<vmem>>)
      tpu.yield
    }) : () -> ()
    %mul3A_66 = arith.constant 96 : i32
    %mul3A_67 = arith.muli %select_n3A_28, %mul3A_66 : i32
    %scan3A_68 = arith.constant 0 : i32
    %scan3A_69 = arith.constant 0 : i32
    %scan3A_70 = arith.constant 6 : i32
    %scan3A_71 = arith.addi %scan3A_69, %scan3A_70 : i32
    %scan3A_72 = arith.constant 1 : i32
    %scan3A_73 = scf.for %scan3A_79 = %scan3A_69 to %scan3A_71 step %scan3A_72 iter_args(%scan3A_80 = %scan3A_68) -> (i32)  : i32 {
      %mul3A_81 = arith.constant 16 : i32
      %mul3A_82 = arith.muli %scan3A_79, %mul3A_81 : i32
      %add3A_83 = arith.addi %mul3A_67, %mul3A_82 : i32
      %broadcast_in_dim3A = arith.constant 0xFF800000 : f32
      %broadcast_in_dim3A_84 = vector.broadcast %broadcast_in_dim3A : f32 to vector<16xf32>
      %broadcast_in_dim3A_85 = arith.constant 0xFF800000 : f32
      %broadcast_in_dim3A_86 = vector.broadcast %broadcast_in_dim3A_85 : f32 to vector<16xf32>
      %add3A_87 = arith.constant 0 : i32
      %add3A_88 = arith.addi %add3A_87, %add3A_83 : i32
      %get3A = arith.index_cast %add3A_88 : i32 to index
      %get3A_89 = tpu.vector_load %arg9[%get3A] {strides = array<i32>} : memref<12288xf32, #tpu.memory_space<vmem>>, vector<16xf32>,
      %get3A_90 = vector.shape_cast %get3A_89 : vector<16xf32> to vector<16xf32>
      %add3A_91 = arith.constant 768 : i32
      %add3A_92 = arith.addi %add3A_91, %add3A_83 : i32
      %get3A_93 = arith.index_cast %add3A_92 : i32 to index
      %get3A_94 = tpu.vector_load %arg9[%get3A_93] {strides = array<i32>} : memref<12288xf32, #tpu.memory_space<vmem>>, vector<16xf32>,
      %get3A_95 = vector.shape_cast %get3A_94 : vector<16xf32> to vector<16xf32>
      %max3A = arith.maximumf %broadcast_in_dim3A_86, %get3A_95 : vector<16xf32>
      %min3A = arith.minimumf %broadcast_in_dim3A_84, %get3A_90 : vector<16xf32>
      %max3A_96 = arith.maximumf %max3A, %min3A : vector<16xf32>
      %max3A_97 = arith.maximumf %broadcast_in_dim3A_84, %get3A_90 : vector<16xf32>
      %add3A_98 = arith.constant 1536 : i32
      %add3A_99 = arith.addi %add3A_98, %add3A_83 : i32
      %get3A_100 = arith.index_cast %add3A_99 : i32 to index
      %get3A_101 = tpu.vector_load %arg9[%get3A_100] {strides = array<i32>} : memref<12288xf32, #tpu.memory_space<vmem>>, vector<16xf32>,
      %get3A_102 = vector.shape_cast %get3A_101 : vector<16xf32> to vector<16xf32>
      %add3A_103 = arith.constant 2304 : i32
      %add3A_104 = arith.addi %add3A_103, %add3A_83 : i32
      %get3A_105 = arith.index_cast %add3A_104 : i32 to index
      %get3A_106 = tpu.vector_load %arg9[%get3A_105] {strides = array<i32>} : memref<12288xf32, #tpu.memory_space<vmem>>, vector<16xf32>,
      %get3A_107 = vector.shape_cast %get3A_106 : vector<16xf32> to vector<16xf32>
      %max3A_108 = arith.maximumf %max3A_96, %get3A_107 : vector<16xf32>
      %min3A_109 = arith.minimumf %max3A_97, %get3A_102 : vector<16xf32>
      %max3A_110 = arith.maximumf %max3A_108, %min3A_109 : vector<16xf32>
      %max3A_111 = arith.maximumf %max3A_97, %get3A_102 : vector<16xf32>
      %add3A_112 = arith.constant 3072 : i32
      %add3A_113 = arith.addi %add3A_112, %add3A_83 : i32
      %get3A_114 = arith.index_cast %add3A_113 : i32 to index
      %get3A_115 = tpu.vector_load %arg9[%get3A_114] {strides = array<i32>} : memref<12288xf32, #tpu.memory_space<vmem>>, vector<16xf32>,
      %get3A_116 = vector.shape_cast %get3A_115 : vector<16xf32> to vector<16xf32>
      %add3A_117 = arith.constant 3840 : i32
      %add3A_118 = arith.addi %add3A_117, %add3A_83 : i32
      %get3A_119 = arith.index_cast %add3A_118 : i32 to index
      %get3A_120 = tpu.vector_load %arg9[%get3A_119] {strides = array<i32>} : memref<12288xf32, #tpu.memory_space<vmem>>, vector<16xf32>,
      %get3A_121 = vector.shape_cast %get3A_120 : vector<16xf32> to vector<16xf32>
      %max3A_122 = arith.maximumf %max3A_110, %get3A_121 : vector<16xf32>
      %min3A_123 = arith.minimumf %max3A_111, %get3A_116 : vector<16xf32>
      %max3A_124 = arith.maximumf %max3A_122, %min3A_123 : vector<16xf32>
      %max3A_125 = arith.maximumf %max3A_111, %get3A_116 : vector<16xf32>
      %add3A_126 = arith.constant 4608 : i32
      %add3A_127 = arith.addi %add3A_126, %add3A_83 : i32
      %get3A_128 = arith.index_cast %add3A_127 : i32 to index
      %get3A_129 = tpu.vector_load %arg9[%get3A_128] {strides = array<i32>} : memref<12288xf32, #tpu.memory_space<vmem>>, vector<16xf32>,
      %get3A_130 = vector.shape_cast %get3A_129 : vector<16xf32> to vector<16xf32>
      %add3A_131 = arith.constant 5376 : i32
      %add3A_132 = arith.addi %add3A_131, %add3A_83 : i32
      %get3A_133 = arith.index_cast %add3A_132 : i32 to index
      %get3A_134 = tpu.vector_load %arg9[%get3A_133] {strides = array<i32>} : memref<12288xf32, #tpu.memory_space<vmem>>, vector<16xf32>,
      %get3A_135 = vector.shape_cast %get3A_134 : vector<16xf32> to vector<16xf32>
      %max3A_136 = arith.maximumf %max3A_124, %get3A_135 : vector<16xf32>
      %min3A_137 = arith.minimumf %max3A_125, %get3A_130 : vector<16xf32>
      %max3A_138 = arith.maximumf %max3A_136, %min3A_137 : vector<16xf32>
      %max3A_139 = arith.maximumf %max3A_125, %get3A_130 : vector<16xf32>
      %add3A_140 = arith.constant 6144 : i32
      %add3A_141 = arith.addi %add3A_140, %add3A_83 : i32
      %get3A_142 = arith.index_cast %add3A_141 : i32 to index
      %get3A_143 = tpu.vector_load %arg9[%get3A_142] {strides = array<i32>} : memref<12288xf32, #tpu.memory_space<vmem>>, vector<16xf32>,
      %get3A_144 = vector.shape_cast %get3A_143 : vector<16xf32> to vector<16xf32>
      %add3A_145 = arith.constant 6912 : i32
      %add3A_146 = arith.addi %add3A_145, %add3A_83 : i32
      %get3A_147 = arith.index_cast %add3A_146 : i32 to index
      %get3A_148 = tpu.vector_load %arg9[%get3A_147] {strides = array<i32>} : memref<12288xf32, #tpu.memory_space<vmem>>, vector<16xf32>,
      %get3A_149 = vector.shape_cast %get3A_148 : vector<16xf32> to vector<16xf32>
      %max3A_150 = arith.maximumf %max3A_138, %get3A_149 : vector<16xf32>
      %min3A_151 = arith.minimumf %max3A_139, %get3A_144 : vector<16xf32>
      %max3A_152 = arith.maximumf %max3A_150, %min3A_151 : vector<16xf32>
      %max3A_153 = arith.maximumf %max3A_139, %get3A_144 : vector<16xf32>
      %add3A_154 = arith.constant 7680 : i32
      %add3A_155 = arith.addi %add3A_154, %add3A_83 : i32
      %get3A_156 = arith.index_cast %add3A_155 : i32 to index
      %get3A_157 = tpu.vector_load %arg9[%get3A_156] {strides = array<i32>} : memref<12288xf32, #tpu.memory_space<vmem>>, vector<16xf32>,
      %get3A_158 = vector.shape_cast %get3A_157 : vector<16xf32> to vector<16xf32>
      %add3A_159 = arith.constant 8448 : i32
      %add3A_160 = arith.addi %add3A_159, %add3A_83 : i32
      %get3A_161 = arith.index_cast %add3A_160 : i32 to index
      %get3A_162 = tpu.vector_load %arg9[%get3A_161] {strides = array<i32>} : memref<12288xf32, #tpu.memory_space<vmem>>, vector<16xf32>,
      %get3A_163 = vector.shape_cast %get3A_162 : vector<16xf32> to vector<16xf32>
      %max3A_164 = arith.maximumf %max3A_152, %get3A_163 : vector<16xf32>
      %min3A_165 = arith.minimumf %max3A_153, %get3A_158 : vector<16xf32>
      %max3A_166 = arith.maximumf %max3A_164, %min3A_165 : vector<16xf32>
      %max3A_167 = arith.maximumf %max3A_153, %get3A_158 : vector<16xf32>
      %add3A_168 = arith.constant 9216 : i32
      %add3A_169 = arith.addi %add3A_168, %add3A_83 : i32
      %get3A_170 = arith.index_cast %add3A_169 : i32 to index
      %get3A_171 = tpu.vector_load %arg9[%get3A_170] {strides = array<i32>} : memref<12288xf32, #tpu.memory_space<vmem>>, vector<16xf32>,
      %get3A_172 = vector.shape_cast %get3A_171 : vector<16xf32> to vector<16xf32>
      %add3A_173 = arith.constant 9984 : i32
      %add3A_174 = arith.addi %add3A_173, %add3A_83 : i32
      %get3A_175 = arith.index_cast %add3A_174 : i32 to index
      %get3A_176 = tpu.vector_load %arg9[%get3A_175] {strides = array<i32>} : memref<12288xf32, #tpu.memory_space<vmem>>, vector<16xf32>,
      %get3A_177 = vector.shape_cast %get3A_176 : vector<16xf32> to vector<16xf32>
      %max3A_178 = arith.maximumf %max3A_166, %get3A_177 : vector<16xf32>
      %min3A_179 = arith.minimumf %max3A_167, %get3A_172 : vector<16xf32>
      %max3A_180 = arith.maximumf %max3A_178, %min3A_179 : vector<16xf32>
      %max3A_181 = arith.maximumf %max3A_167, %get3A_172 : vector<16xf32>
      %add3A_182 = arith.constant 10752 : i32
      %add3A_183 = arith.addi %add3A_182, %add3A_83 : i32
      %get3A_184 = arith.index_cast %add3A_183 : i32 to index
      %get3A_185 = tpu.vector_load %arg9[%get3A_184] {strides = array<i32>} : memref<12288xf32, #tpu.memory_space<vmem>>, vector<16xf32>,
      %get3A_186 = vector.shape_cast %get3A_185 : vector<16xf32> to vector<16xf32>
      %add3A_187 = arith.constant 11520 : i32
      %add3A_188 = arith.addi %add3A_187, %add3A_83 : i32
      %get3A_189 = arith.index_cast %add3A_188 : i32 to index
      %get3A_190 = tpu.vector_load %arg9[%get3A_189] {strides = array<i32>} : memref<12288xf32, #tpu.memory_space<vmem>>, vector<16xf32>,
      %get3A_191 = vector.shape_cast %get3A_190 : vector<16xf32> to vector<16xf32>
      %max3A_192 = arith.maximumf %max3A_180, %get3A_191 : vector<16xf32>
      %min3A_193 = arith.minimumf %max3A_181, %get3A_186 : vector<16xf32>
      %max3A_194 = arith.maximumf %max3A_192, %min3A_193 : vector<16xf32>
      %max3A_195 = arith.maximumf %max3A_181, %get3A_186 : vector<16xf32>
      %mul3A_196 = arith.constant 16 : i32
      %mul3A_197 = arith.muli %scan3A_79, %mul3A_196 : i32
      %swap3A = arith.index_cast %mul3A_197 : i32 to index
      %swap3A_198 = tpu.vector_load %arg10[%swap3A] {strides = array<i32>} : memref<96xf32, #tpu.memory_space<vmem>>, vector<16xf32>,
      %swap3A_199 = vector.shape_cast %swap3A_198 : vector<16xf32> to vector<16xf32>
      %swap3A_200 = vector.shape_cast %max3A_195 : vector<16xf32> to vector<16xf32>
      tpu.vector_store %arg10[%swap3A], %swap3A_200 {strides = array<i32>} : memref<96xf32, #tpu.memory_space<vmem>>, vector<16xf32>,
      %mul3A_201 = arith.constant 16 : i32
      %mul3A_202 = arith.muli %scan3A_79, %mul3A_201 : i32
      %swap3A_203 = arith.index_cast %mul3A_202 : i32 to index
      %swap3A_204 = tpu.vector_load %arg11[%swap3A_203] {strides = array<i32>} : memref<96xf32, #tpu.memory_space<vmem>>, vector<16xf32>,
      %swap3A_205 = vector.shape_cast %swap3A_204 : vector<16xf32> to vector<16xf32>
      %swap3A_206 = vector.shape_cast %max3A_194 : vector<16xf32> to vector<16xf32>
      tpu.vector_store %arg11[%swap3A_203], %swap3A_206 {strides = array<i32>} : memref<96xf32, #tpu.memory_space<vmem>>, vector<16xf32>,
      %scan3A_207 = arith.constant 0 : i32
      scf.yield %scan3A_207 : i32
    }
    %scan3A_74 = arith.constant 6 : i32
    %mul3A_75 = arith.constant 768 : i32
    %mul3A_76 = arith.muli %add3A_30, %mul3A_75 : i32
    %add3A_77 = arith.addi %mul3A_76, %mul3A_67 : i32
    %multiple_of3A_78 = tpu.assume_multiple %add3A_77, 32 : i32
    "tpu.region"() ({
      %run_scoped3A = tpu.sem_alloc : memref<!tpu.dma_semaphore, #tpu.memory_space<semaphore_mem>>
      %dma_start3A_79 = tpu.memref_slice %arg3[%multiple_of3A_78] : memref<3072xf32, #tpu.memory_space<hbm>> -> memref<96xf32, #tpu.memory_space<hbm>>
      %dma_start3A_80 = tpu.memref_slice %arg3[%multiple_of3A_78] : memref<3072xf32, #tpu.memory_space<hbm>> -> memref<96xf32, #tpu.memory_space<hbm>>
      tpu.enqueue_dma source(%arg10 : memref<96xf32, #tpu.memory_space<vmem>>) target(%dma_start3A_80 : memref<96xf32, #tpu.memory_space<hbm>>) target_semaphore(%run_scoped3A : memref<!tpu.dma_semaphore, #tpu.memory_space<semaphore_mem>>)
      %dma_wait3A = tpu.memref_slice %arg3[%multiple_of3A_78] : memref<3072xf32, #tpu.memory_space<hbm>> -> memref<96xf32, #tpu.memory_space<hbm>>
      %dma_wait3A_81 = tpu.memref_slice %arg3[%multiple_of3A_78] : memref<3072xf32, #tpu.memory_space<hbm>> -> memref<96xf32, #tpu.memory_space<hbm>>
      tpu.wait_dma2 semaphore(%run_scoped3A : memref<!tpu.dma_semaphore, #tpu.memory_space<semaphore_mem>>) src(%arg10 : memref<96xf32, #tpu.memory_space<vmem>>) dst(%dma_wait3A_81 : memref<96xf32, #tpu.memory_space<hbm>>)
      tpu.yield
    }) : () -> ()
    "tpu.region"() ({
      %run_scoped3A = tpu.sem_alloc : memref<!tpu.dma_semaphore, #tpu.memory_space<semaphore_mem>>
      %dma_start3A_79 = tpu.memref_slice %arg4[%multiple_of3A_78] : memref<3072xf32, #tpu.memory_space<hbm>> -> memref<96xf32, #tpu.memory_space<hbm>>
      %dma_start3A_80 = tpu.memref_slice %arg4[%multiple_of3A_78] : memref<3072xf32, #tpu.memory_space<hbm>> -> memref<96xf32, #tpu.memory_space<hbm>>
      tpu.enqueue_dma source(%arg11 : memref<96xf32, #tpu.memory_space<vmem>>) target(%dma_start3A_80 : memref<96xf32, #tpu.memory_space<hbm>>) target_semaphore(%run_scoped3A : memref<!tpu.dma_semaphore, #tpu.memory_space<semaphore_mem>>)
      %dma_wait3A = tpu.memref_slice %arg4[%multiple_of3A_78] : memref<3072xf32, #tpu.memory_space<hbm>> -> memref<96xf32, #tpu.memory_space<hbm>>
      %dma_wait3A_81 = tpu.memref_slice %arg4[%multiple_of3A_78] : memref<3072xf32, #tpu.memory_space<hbm>> -> memref<96xf32, #tpu.memory_space<hbm>>
      tpu.wait_dma2 semaphore(%run_scoped3A : memref<!tpu.dma_semaphore, #tpu.memory_space<semaphore_mem>>) src(%arg11 : memref<96xf32, #tpu.memory_space<vmem>>) dst(%dma_wait3A_81 : memref<96xf32, #tpu.memory_space<hbm>>)
      tpu.yield
    }) : () -> ()
    return
  }
}

module attributes {stable_mosaic.version = 14 : i64} {
  func.func @_tc_body(%arg0: i32, %arg1: i32, %arg2: memref<1x256x768xf32, #tpu.memory_space<vmem>>, %arg3: memref<8x768xf32, #tpu.memory_space<vmem>>, %arg4: memref<8x768xf32, #tpu.memory_space<vmem>>, %arg5: memref<8x768xf32, #tpu.memory_space<vmem>>, %arg6: memref<8x768xf32, #tpu.memory_space<vmem>>) attributes {dimension_semantics = [#tpu.dimension_semantics<arbitrary>, #tpu.dimension_semantics<arbitrary>], iteration_bounds = array<i64: 4, 16>, scalar_prefetch = 0 : i64, scratch_operands = 2 : i64, tpu.core_type = #tpu.core_type<tc>, window_params = [{transform_indices = @transform_0, window_bounds = array<i64: 1, 256, 768>}, {transform_indices = @transform_1, window_bounds = array<i64: 8, 768>}, {transform_indices = @transform_2, window_bounds = array<i64: 8, 768>}]} {
    %eq3A = arith.constant 0 : i32
    %eq3A_0 = arith.cmpi eq, %arg1, %eq3A : i32
    %convert_element_type3A = arith.extui %eq3A_0 : i1 to i32
    %cond3A = arith.constant 0 : i32
    %cond3A_1 = arith.cmpi ne, %convert_element_type3A, %cond3A : i32
    scf.if %cond3A_1 {
      %broadcast_in_dim3A = arith.constant 0xFF800000 : f32
      %broadcast_in_dim3A_59 = vector.broadcast %broadcast_in_dim3A : f32 to vector<8x768xf32>
      %swap3A_60 = arith.constant 0 : index
      %swap3A_61 = arith.constant 0 : index
      %swap3A_62 = vector.load %arg5[%swap3A_60, %swap3A_61] : memref<8x768xf32, #tpu.memory_space<vmem>>, vector<8x768xf32>
      tpu.vector_store %arg5[%swap3A_60, %swap3A_61], %broadcast_in_dim3A_59 {strides = array<i32>} : memref<8x768xf32, #tpu.memory_space<vmem>>, vector<8x768xf32>,
      %broadcast_in_dim3A_63 = arith.constant 0xFF800000 : f32
      %broadcast_in_dim3A_64 = vector.broadcast %broadcast_in_dim3A_63 : f32 to vector<8x768xf32>
      %swap3A_65 = arith.constant 0 : index
      %swap3A_66 = arith.constant 0 : index
      %swap3A_67 = vector.load %arg6[%swap3A_65, %swap3A_66] : memref<8x768xf32, #tpu.memory_space<vmem>>, vector<8x768xf32>
      tpu.vector_store %arg6[%swap3A_65, %swap3A_66], %broadcast_in_dim3A_64 {strides = array<i32>} : memref<8x768xf32, #tpu.memory_space<vmem>>, vector<8x768xf32>,
    } else {
    }
    %get3A = arith.constant 0 : index
    %get3A_2 = arith.constant 0 : index
    %get3A_3 = arith.constant 0 : index
    %get3A_4 = vector.load %arg2[%get3A, %get3A_2, %get3A_3] : memref<1x256x768xf32, #tpu.memory_space<vmem>>, vector<1x256x768xf32>
    %get3A_5 = vector.shape_cast %get3A_4 : vector<1x256x768xf32> to vector<256x768xf32>
    %slice3A = vector.extract_strided_slice %get3A_5 {offsets = [0, 0], sizes = [128, 768], strides = [1, 1]} : vector<256x768xf32> to vector<128x768xf32>
    %slice3A_6 = vector.extract_strided_slice %get3A_5 {offsets = [128, 0], sizes = [128, 768], strides = [1, 1]} : vector<256x768xf32> to vector<128x768xf32>
    %max3A = arith.maximumf %slice3A, %slice3A_6 : vector<128x768xf32>
    %min3A = arith.minimumf %slice3A, %slice3A_6 : vector<128x768xf32>
    %slice3A_7 = vector.extract_strided_slice %max3A {offsets = [0, 0], sizes = [64, 768], strides = [1, 1]} : vector<128x768xf32> to vector<64x768xf32>
    %slice3A_8 = vector.extract_strided_slice %max3A {offsets = [64, 0], sizes = [64, 768], strides = [1, 1]} : vector<128x768xf32> to vector<64x768xf32>
    %slice3A_9 = vector.extract_strided_slice %min3A {offsets = [0, 0], sizes = [64, 768], strides = [1, 1]} : vector<128x768xf32> to vector<64x768xf32>
    %slice3A_10 = vector.extract_strided_slice %min3A {offsets = [64, 0], sizes = [64, 768], strides = [1, 1]} : vector<128x768xf32> to vector<64x768xf32>
    %max3A_11 = arith.maximumf %slice3A_9, %slice3A_10 : vector<64x768xf32>
    %min3A_12 = arith.minimumf %slice3A_7, %slice3A_8 : vector<64x768xf32>
    %max3A_13 = arith.maximumf %max3A_11, %min3A_12 : vector<64x768xf32>
    %max3A_14 = arith.maximumf %slice3A_7, %slice3A_8 : vector<64x768xf32>
    %slice3A_15 = vector.extract_strided_slice %max3A_14 {offsets = [0, 0], sizes = [32, 768], strides = [1, 1]} : vector<64x768xf32> to vector<32x768xf32>
    %slice3A_16 = vector.extract_strided_slice %max3A_14 {offsets = [32, 0], sizes = [32, 768], strides = [1, 1]} : vector<64x768xf32> to vector<32x768xf32>
    %slice3A_17 = vector.extract_strided_slice %max3A_13 {offsets = [0, 0], sizes = [32, 768], strides = [1, 1]} : vector<64x768xf32> to vector<32x768xf32>
    %slice3A_18 = vector.extract_strided_slice %max3A_13 {offsets = [32, 0], sizes = [32, 768], strides = [1, 1]} : vector<64x768xf32> to vector<32x768xf32>
    %max3A_19 = arith.maximumf %slice3A_17, %slice3A_18 : vector<32x768xf32>
    %min3A_20 = arith.minimumf %slice3A_15, %slice3A_16 : vector<32x768xf32>
    %max3A_21 = arith.maximumf %max3A_19, %min3A_20 : vector<32x768xf32>
    %max3A_22 = arith.maximumf %slice3A_15, %slice3A_16 : vector<32x768xf32>
    %slice3A_23 = vector.extract_strided_slice %max3A_22 {offsets = [0, 0], sizes = [16, 768], strides = [1, 1]} : vector<32x768xf32> to vector<16x768xf32>
    %slice3A_24 = vector.extract_strided_slice %max3A_22 {offsets = [16, 0], sizes = [16, 768], strides = [1, 1]} : vector<32x768xf32> to vector<16x768xf32>
    %slice3A_25 = vector.extract_strided_slice %max3A_21 {offsets = [0, 0], sizes = [16, 768], strides = [1, 1]} : vector<32x768xf32> to vector<16x768xf32>
    %slice3A_26 = vector.extract_strided_slice %max3A_21 {offsets = [16, 0], sizes = [16, 768], strides = [1, 1]} : vector<32x768xf32> to vector<16x768xf32>
    %max3A_27 = arith.maximumf %slice3A_25, %slice3A_26 : vector<16x768xf32>
    %min3A_28 = arith.minimumf %slice3A_23, %slice3A_24 : vector<16x768xf32>
    %max3A_29 = arith.maximumf %max3A_27, %min3A_28 : vector<16x768xf32>
    %max3A_30 = arith.maximumf %slice3A_23, %slice3A_24 : vector<16x768xf32>
    %slice3A_31 = vector.extract_strided_slice %max3A_30 {offsets = [0, 0], sizes = [8, 768], strides = [1, 1]} : vector<16x768xf32> to vector<8x768xf32>
    %slice3A_32 = vector.extract_strided_slice %max3A_30 {offsets = [8, 0], sizes = [8, 768], strides = [1, 1]} : vector<16x768xf32> to vector<8x768xf32>
    %slice3A_33 = vector.extract_strided_slice %max3A_29 {offsets = [0, 0], sizes = [8, 768], strides = [1, 1]} : vector<16x768xf32> to vector<8x768xf32>
    %slice3A_34 = vector.extract_strided_slice %max3A_29 {offsets = [8, 0], sizes = [8, 768], strides = [1, 1]} : vector<16x768xf32> to vector<8x768xf32>
    %max3A_35 = arith.maximumf %slice3A_33, %slice3A_34 : vector<8x768xf32>
    %min3A_36 = arith.minimumf %slice3A_31, %slice3A_32 : vector<8x768xf32>
    %max3A_37 = arith.maximumf %max3A_35, %min3A_36 : vector<8x768xf32>
    %max3A_38 = arith.maximumf %slice3A_31, %slice3A_32 : vector<8x768xf32>
    %get3A_39 = arith.constant 0 : index
    %get3A_40 = arith.constant 0 : index
    %get3A_41 = vector.load %arg5[%get3A_39, %get3A_40] : memref<8x768xf32, #tpu.memory_space<vmem>>, vector<8x768xf32>
    %get3A_42 = arith.constant 0 : index
    %get3A_43 = arith.constant 0 : index
    %get3A_44 = vector.load %arg6[%get3A_42, %get3A_43] : memref<8x768xf32, #tpu.memory_space<vmem>>, vector<8x768xf32>
    %max3A_45 = arith.maximumf %get3A_41, %max3A_38 : vector<8x768xf32>
    %swap3A = arith.constant 0 : index
    %swap3A_46 = arith.constant 0 : index
    %swap3A_47 = vector.load %arg5[%swap3A, %swap3A_46] : memref<8x768xf32, #tpu.memory_space<vmem>>, vector<8x768xf32>
    tpu.vector_store %arg5[%swap3A, %swap3A_46], %max3A_45 {strides = array<i32>} : memref<8x768xf32, #tpu.memory_space<vmem>>, vector<8x768xf32>,
    %max3A_48 = arith.maximumf %get3A_44, %max3A_37 : vector<8x768xf32>
    %min3A_49 = arith.minimumf %get3A_41, %max3A_38 : vector<8x768xf32>
    %max3A_50 = arith.maximumf %max3A_48, %min3A_49 : vector<8x768xf32>
    %swap3A_51 = arith.constant 0 : index
    %swap3A_52 = arith.constant 0 : index
    %swap3A_53 = vector.load %arg6[%swap3A_51, %swap3A_52] : memref<8x768xf32, #tpu.memory_space<vmem>>, vector<8x768xf32>
    tpu.vector_store %arg6[%swap3A_51, %swap3A_52], %max3A_50 {strides = array<i32>} : memref<8x768xf32, #tpu.memory_space<vmem>>, vector<8x768xf32>,
    %eq3A_54 = arith.constant 15 : i32
    %eq3A_55 = arith.cmpi eq, %arg1, %eq3A_54 : i32
    %convert_element_type3A_56 = arith.extui %eq3A_55 : i1 to i32
    %cond3A_57 = arith.constant 0 : i32
    %cond3A_58 = arith.cmpi ne, %convert_element_type3A_56, %cond3A_57 : i32
    scf.if %cond3A_58 {
      %get3A_59 = arith.constant 0 : index
      %get3A_60 = arith.constant 0 : index
      %get3A_61 = vector.load %arg5[%get3A_59, %get3A_60] : memref<8x768xf32, #tpu.memory_space<vmem>>, vector<8x768xf32>
      %swap3A_62 = arith.constant 0 : index
      %swap3A_63 = arith.constant 0 : index
      %swap3A_64 = vector.load %arg3[%swap3A_62, %swap3A_63] : memref<8x768xf32, #tpu.memory_space<vmem>>, vector<8x768xf32>
      tpu.vector_store %arg3[%swap3A_62, %swap3A_63], %get3A_61 {strides = array<i32>} : memref<8x768xf32, #tpu.memory_space<vmem>>, vector<8x768xf32>,
      %get3A_65 = arith.constant 0 : index
      %get3A_66 = arith.constant 0 : index
      %get3A_67 = vector.load %arg6[%get3A_65, %get3A_66] : memref<8x768xf32, #tpu.memory_space<vmem>>, vector<8x768xf32>
      %swap3A_68 = arith.constant 0 : index
      %swap3A_69 = arith.constant 0 : index
      %swap3A_70 = vector.load %arg4[%swap3A_68, %swap3A_69] : memref<8x768xf32, #tpu.memory_space<vmem>>, vector<8x768xf32>
      tpu.vector_store %arg4[%swap3A_68, %swap3A_69], %get3A_67 {strides = array<i32>} : memref<8x768xf32, #tpu.memory_space<vmem>>, vector<8x768xf32>,
    } else {
    }
    return
  }
  func.func @transform_0(%arg0: i32, %arg1: i32) -> (i32, i32, i32) {
    %c0_i32 = arith.constant 0 : i32
    %c0_i32_0 = arith.constant 0 : i32
    return %arg0, %arg1, %c0_i32 : i32, i32, i32
  }
  func.func @transform_1(%arg0: i32, %arg1: i32) -> (i32, i32) {
    %c0_i32 = arith.constant 0 : i32
    %c0_i32_0 = arith.constant 0 : i32
    return %arg0, %c0_i32 : i32, i32
  }
  func.func @transform_2(%arg0: i32, %arg1: i32) -> (i32, i32) {
    %c0_i32 = arith.constant 0 : i32
    %c0_i32_0 = arith.constant 0 : i32
    return %arg0, %c0_i32 : i32, i32
  }
}

module attributes {stable_mosaic.version = 14 : i64} {
  func.func @_merge_body(%arg0: memref<3072xf32, #tpu.memory_space<vmem>>, %arg1: memref<3072xf32, #tpu.memory_space<vmem>>, %arg2: memref<32x768xf32, #tpu.memory_space<vmem>>, %arg3: memref<32x768xf32, #tpu.memory_space<vmem>>, %arg4: memref<3072xf32, #tpu.memory_space<vmem>>, %arg5: memref<3072xf32, #tpu.memory_space<vmem>>) attributes {dimension_semantics = [], scalar_prefetch = 0 : i64, scratch_operands = 0 : i64, tpu.core_type = #tpu.core_type<tc>} {
    %get3A = arith.constant 0 : index
    %get3A_0 = arith.constant 0 : index
    %get3A_1 = vector.load %arg2[%get3A, %get3A_0] : memref<32x768xf32, #tpu.memory_space<vmem>>, vector<8x768xf32>
    %get3A_2 = arith.constant 0 : index
    %get3A_3 = arith.constant 0 : index
    %get3A_4 = vector.load %arg3[%get3A_2, %get3A_3] : memref<32x768xf32, #tpu.memory_space<vmem>>, vector<8x768xf32>
    %slice3A = vector.extract_strided_slice %get3A_1 {offsets = [0, 0], sizes = [4, 768], strides = [1, 1]} : vector<8x768xf32> to vector<4x768xf32>
    %slice3A_5 = vector.extract_strided_slice %get3A_1 {offsets = [4, 0], sizes = [4, 768], strides = [1, 1]} : vector<8x768xf32> to vector<4x768xf32>
    %slice3A_6 = vector.extract_strided_slice %get3A_4 {offsets = [0, 0], sizes = [4, 768], strides = [1, 1]} : vector<8x768xf32> to vector<4x768xf32>
    %slice3A_7 = vector.extract_strided_slice %get3A_4 {offsets = [4, 0], sizes = [4, 768], strides = [1, 1]} : vector<8x768xf32> to vector<4x768xf32>
    %max3A = arith.maximumf %slice3A_6, %slice3A_7 : vector<4x768xf32>
    %min3A = arith.minimumf %slice3A, %slice3A_5 : vector<4x768xf32>
    %max3A_8 = arith.maximumf %max3A, %min3A : vector<4x768xf32>
    %max3A_9 = arith.maximumf %slice3A, %slice3A_5 : vector<4x768xf32>
    %slice3A_10 = vector.extract_strided_slice %max3A_9 {offsets = [0, 0], sizes = [2, 768], strides = [1, 1]} : vector<4x768xf32> to vector<2x768xf32>
    %slice3A_11 = vector.extract_strided_slice %max3A_9 {offsets = [2, 0], sizes = [2, 768], strides = [1, 1]} : vector<4x768xf32> to vector<2x768xf32>
    %slice3A_12 = vector.extract_strided_slice %max3A_8 {offsets = [0, 0], sizes = [2, 768], strides = [1, 1]} : vector<4x768xf32> to vector<2x768xf32>
    %slice3A_13 = vector.extract_strided_slice %max3A_8 {offsets = [2, 0], sizes = [2, 768], strides = [1, 1]} : vector<4x768xf32> to vector<2x768xf32>
    %max3A_14 = arith.maximumf %slice3A_12, %slice3A_13 : vector<2x768xf32>
    %min3A_15 = arith.minimumf %slice3A_10, %slice3A_11 : vector<2x768xf32>
    %max3A_16 = arith.maximumf %max3A_14, %min3A_15 : vector<2x768xf32>
    %max3A_17 = arith.maximumf %slice3A_10, %slice3A_11 : vector<2x768xf32>
    %slice3A_18 = vector.extract_strided_slice %max3A_17 {offsets = [0, 0], sizes = [1, 768], strides = [1, 1]} : vector<2x768xf32> to vector<1x768xf32>
    %slice3A_19 = vector.extract_strided_slice %max3A_17 {offsets = [1, 0], sizes = [1, 768], strides = [1, 1]} : vector<2x768xf32> to vector<1x768xf32>
    %slice3A_20 = vector.extract_strided_slice %max3A_16 {offsets = [0, 0], sizes = [1, 768], strides = [1, 1]} : vector<2x768xf32> to vector<1x768xf32>
    %slice3A_21 = vector.extract_strided_slice %max3A_16 {offsets = [1, 0], sizes = [1, 768], strides = [1, 1]} : vector<2x768xf32> to vector<1x768xf32>
    %max3A_22 = arith.maximumf %slice3A_20, %slice3A_21 : vector<1x768xf32>
    %min3A_23 = arith.minimumf %slice3A_18, %slice3A_19 : vector<1x768xf32>
    %max3A_24 = arith.maximumf %max3A_22, %min3A_23 : vector<1x768xf32>
    %max3A_25 = arith.maximumf %slice3A_18, %slice3A_19 : vector<1x768xf32>
    %reshape3A = vector.shape_cast %max3A_25 : vector<1x768xf32> to vector<768xf32>
    %reshape3A_26 = vector.shape_cast %max3A_24 : vector<1x768xf32> to vector<768xf32>
    %get3A_27 = arith.constant 0 : index
    %get3A_28 = vector.load %arg0[%get3A_27] : memref<3072xf32, #tpu.memory_space<vmem>>, vector<768xf32>
    %get3A_29 = arith.constant 0 : index
    %get3A_30 = vector.load %arg1[%get3A_29] : memref<3072xf32, #tpu.memory_space<vmem>>, vector<768xf32>
    %max3A_31 = arith.maximumf %get3A_30, %reshape3A_26 : vector<768xf32>
    %min3A_32 = arith.minimumf %get3A_28, %reshape3A : vector<768xf32>
    %max3A_33 = arith.maximumf %max3A_31, %min3A_32 : vector<768xf32>
    %swap3A = arith.constant 0 : index
    %swap3A_34 = vector.load %arg5[%swap3A] : memref<3072xf32, #tpu.memory_space<vmem>>, vector<768xf32>
    tpu.vector_store %arg5[%swap3A], %max3A_33 {strides = array<i32>} : memref<3072xf32, #tpu.memory_space<vmem>>, vector<768xf32>,
    %max3A_35 = arith.maximumf %get3A_28, %reshape3A : vector<768xf32>
    %swap3A_36 = arith.constant 0 : index
    %swap3A_37 = vector.load %arg4[%swap3A_36] : memref<3072xf32, #tpu.memory_space<vmem>>, vector<768xf32>
    tpu.vector_store %arg4[%swap3A_36], %max3A_35 {strides = array<i32>} : memref<3072xf32, #tpu.memory_space<vmem>>, vector<768xf32>,
    %get3A_38 = arith.constant 8 : index
    %get3A_39 = arith.constant 0 : index
    %get3A_40 = vector.load %arg2[%get3A_38, %get3A_39] : memref<32x768xf32, #tpu.memory_space<vmem>>, vector<8x768xf32>
    %get3A_41 = arith.constant 8 : index
    %get3A_42 = arith.constant 0 : index
    %get3A_43 = vector.load %arg3[%get3A_41, %get3A_42] : memref<32x768xf32, #tpu.memory_space<vmem>>, vector<8x768xf32>
    %slice3A_44 = vector.extract_strided_slice %get3A_40 {offsets = [0, 0], sizes = [4, 768], strides = [1, 1]} : vector<8x768xf32> to vector<4x768xf32>
    %slice3A_45 = vector.extract_strided_slice %get3A_40 {offsets = [4, 0], sizes = [4, 768], strides = [1, 1]} : vector<8x768xf32> to vector<4x768xf32>
    %slice3A_46 = vector.extract_strided_slice %get3A_43 {offsets = [0, 0], sizes = [4, 768], strides = [1, 1]} : vector<8x768xf32> to vector<4x768xf32>
    %slice3A_47 = vector.extract_strided_slice %get3A_43 {offsets = [4, 0], sizes = [4, 768], strides = [1, 1]} : vector<8x768xf32> to vector<4x768xf32>
    %max3A_48 = arith.maximumf %slice3A_46, %slice3A_47 : vector<4x768xf32>
    %min3A_49 = arith.minimumf %slice3A_44, %slice3A_45 : vector<4x768xf32>
    %max3A_50 = arith.maximumf %max3A_48, %min3A_49 : vector<4x768xf32>
    %max3A_51 = arith.maximumf %slice3A_44, %slice3A_45 : vector<4x768xf32>
    %slice3A_52 = vector.extract_strided_slice %max3A_51 {offsets = [0, 0], sizes = [2, 768], strides = [1, 1]} : vector<4x768xf32> to vector<2x768xf32>
    %slice3A_53 = vector.extract_strided_slice %max3A_51 {offsets = [2, 0], sizes = [2, 768], strides = [1, 1]} : vector<4x768xf32> to vector<2x768xf32>
    %slice3A_54 = vector.extract_strided_slice %max3A_50 {offsets = [0, 0], sizes = [2, 768], strides = [1, 1]} : vector<4x768xf32> to vector<2x768xf32>
    %slice3A_55 = vector.extract_strided_slice %max3A_50 {offsets = [2, 0], sizes = [2, 768], strides = [1, 1]} : vector<4x768xf32> to vector<2x768xf32>
    %max3A_56 = arith.maximumf %slice3A_54, %slice3A_55 : vector<2x768xf32>
    %min3A_57 = arith.minimumf %slice3A_52, %slice3A_53 : vector<2x768xf32>
    %max3A_58 = arith.maximumf %max3A_56, %min3A_57 : vector<2x768xf32>
    %max3A_59 = arith.maximumf %slice3A_52, %slice3A_53 : vector<2x768xf32>
    %slice3A_60 = vector.extract_strided_slice %max3A_59 {offsets = [0, 0], sizes = [1, 768], strides = [1, 1]} : vector<2x768xf32> to vector<1x768xf32>
    %slice3A_61 = vector.extract_strided_slice %max3A_59 {offsets = [1, 0], sizes = [1, 768], strides = [1, 1]} : vector<2x768xf32> to vector<1x768xf32>
    %slice3A_62 = vector.extract_strided_slice %max3A_58 {offsets = [0, 0], sizes = [1, 768], strides = [1, 1]} : vector<2x768xf32> to vector<1x768xf32>
    %slice3A_63 = vector.extract_strided_slice %max3A_58 {offsets = [1, 0], sizes = [1, 768], strides = [1, 1]} : vector<2x768xf32> to vector<1x768xf32>
    %max3A_64 = arith.maximumf %slice3A_62, %slice3A_63 : vector<1x768xf32>
    %min3A_65 = arith.minimumf %slice3A_60, %slice3A_61 : vector<1x768xf32>
    %max3A_66 = arith.maximumf %max3A_64, %min3A_65 : vector<1x768xf32>
    %max3A_67 = arith.maximumf %slice3A_60, %slice3A_61 : vector<1x768xf32>
    %reshape3A_68 = vector.shape_cast %max3A_67 : vector<1x768xf32> to vector<768xf32>
    %reshape3A_69 = vector.shape_cast %max3A_66 : vector<1x768xf32> to vector<768xf32>
    %get3A_70 = arith.constant 768 : index
    %get3A_71 = vector.load %arg0[%get3A_70] : memref<3072xf32, #tpu.memory_space<vmem>>, vector<768xf32>
    %get3A_72 = arith.constant 768 : index
    %get3A_73 = vector.load %arg1[%get3A_72] : memref<3072xf32, #tpu.memory_space<vmem>>, vector<768xf32>
    %max3A_74 = arith.maximumf %get3A_73, %reshape3A_69 : vector<768xf32>
    %min3A_75 = arith.minimumf %get3A_71, %reshape3A_68 : vector<768xf32>
    %max3A_76 = arith.maximumf %max3A_74, %min3A_75 : vector<768xf32>
    %swap3A_77 = arith.constant 768 : index
    %swap3A_78 = vector.load %arg5[%swap3A_77] : memref<3072xf32, #tpu.memory_space<vmem>>, vector<768xf32>
    tpu.vector_store %arg5[%swap3A_77], %max3A_76 {strides = array<i32>} : memref<3072xf32, #tpu.memory_space<vmem>>, vector<768xf32>,
    %max3A_79 = arith.maximumf %get3A_71, %reshape3A_68 : vector<768xf32>
    %swap3A_80 = arith.constant 768 : index
    %swap3A_81 = vector.load %arg4[%swap3A_80] : memref<3072xf32, #tpu.memory_space<vmem>>, vector<768xf32>
    tpu.vector_store %arg4[%swap3A_80], %max3A_79 {strides = array<i32>} : memref<3072xf32, #tpu.memory_space<vmem>>, vector<768xf32>,
    %get3A_82 = arith.constant 16 : index
    %get3A_83 = arith.constant 0 : index
    %get3A_84 = vector.load %arg2[%get3A_82, %get3A_83] : memref<32x768xf32, #tpu.memory_space<vmem>>, vector<8x768xf32>
    %get3A_85 = arith.constant 16 : index
    %get3A_86 = arith.constant 0 : index
    %get3A_87 = vector.load %arg3[%get3A_85, %get3A_86] : memref<32x768xf32, #tpu.memory_space<vmem>>, vector<8x768xf32>
    %slice3A_88 = vector.extract_strided_slice %get3A_84 {offsets = [0, 0], sizes = [4, 768], strides = [1, 1]} : vector<8x768xf32> to vector<4x768xf32>
    %slice3A_89 = vector.extract_strided_slice %get3A_84 {offsets = [4, 0], sizes = [4, 768], strides = [1, 1]} : vector<8x768xf32> to vector<4x768xf32>
    %slice3A_90 = vector.extract_strided_slice %get3A_87 {offsets = [0, 0], sizes = [4, 768], strides = [1, 1]} : vector<8x768xf32> to vector<4x768xf32>
    %slice3A_91 = vector.extract_strided_slice %get3A_87 {offsets = [4, 0], sizes = [4, 768], strides = [1, 1]} : vector<8x768xf32> to vector<4x768xf32>
    %max3A_92 = arith.maximumf %slice3A_90, %slice3A_91 : vector<4x768xf32>
    %min3A_93 = arith.minimumf %slice3A_88, %slice3A_89 : vector<4x768xf32>
    %max3A_94 = arith.maximumf %max3A_92, %min3A_93 : vector<4x768xf32>
    %max3A_95 = arith.maximumf %slice3A_88, %slice3A_89 : vector<4x768xf32>
    %slice3A_96 = vector.extract_strided_slice %max3A_95 {offsets = [0, 0], sizes = [2, 768], strides = [1, 1]} : vector<4x768xf32> to vector<2x768xf32>
    %slice3A_97 = vector.extract_strided_slice %max3A_95 {offsets = [2, 0], sizes = [2, 768], strides = [1, 1]} : vector<4x768xf32> to vector<2x768xf32>
    %slice3A_98 = vector.extract_strided_slice %max3A_94 {offsets = [0, 0], sizes = [2, 768], strides = [1, 1]} : vector<4x768xf32> to vector<2x768xf32>
    %slice3A_99 = vector.extract_strided_slice %max3A_94 {offsets = [2, 0], sizes = [2, 768], strides = [1, 1]} : vector<4x768xf32> to vector<2x768xf32>
    %max3A_100 = arith.maximumf %slice3A_98, %slice3A_99 : vector<2x768xf32>
    %min3A_101 = arith.minimumf %slice3A_96, %slice3A_97 : vector<2x768xf32>
    %max3A_102 = arith.maximumf %max3A_100, %min3A_101 : vector<2x768xf32>
    %max3A_103 = arith.maximumf %slice3A_96, %slice3A_97 : vector<2x768xf32>
    %slice3A_104 = vector.extract_strided_slice %max3A_103 {offsets = [0, 0], sizes = [1, 768], strides = [1, 1]} : vector<2x768xf32> to vector<1x768xf32>
    %slice3A_105 = vector.extract_strided_slice %max3A_103 {offsets = [1, 0], sizes = [1, 768], strides = [1, 1]} : vector<2x768xf32> to vector<1x768xf32>
    %slice3A_106 = vector.extract_strided_slice %max3A_102 {offsets = [0, 0], sizes = [1, 768], strides = [1, 1]} : vector<2x768xf32> to vector<1x768xf32>
    %slice3A_107 = vector.extract_strided_slice %max3A_102 {offsets = [1, 0], sizes = [1, 768], strides = [1, 1]} : vector<2x768xf32> to vector<1x768xf32>
    %max3A_108 = arith.maximumf %slice3A_106, %slice3A_107 : vector<1x768xf32>
    %min3A_109 = arith.minimumf %slice3A_104, %slice3A_105 : vector<1x768xf32>
    %max3A_110 = arith.maximumf %max3A_108, %min3A_109 : vector<1x768xf32>
    %max3A_111 = arith.maximumf %slice3A_104, %slice3A_105 : vector<1x768xf32>
    %reshape3A_112 = vector.shape_cast %max3A_111 : vector<1x768xf32> to vector<768xf32>
    %reshape3A_113 = vector.shape_cast %max3A_110 : vector<1x768xf32> to vector<768xf32>
    %get3A_114 = arith.constant 1536 : index
    %get3A_115 = vector.load %arg0[%get3A_114] : memref<3072xf32, #tpu.memory_space<vmem>>, vector<768xf32>
    %get3A_116 = arith.constant 1536 : index
    %get3A_117 = vector.load %arg1[%get3A_116] : memref<3072xf32, #tpu.memory_space<vmem>>, vector<768xf32>
    %max3A_118 = arith.maximumf %get3A_117, %reshape3A_113 : vector<768xf32>
    %min3A_119 = arith.minimumf %get3A_115, %reshape3A_112 : vector<768xf32>
    %max3A_120 = arith.maximumf %max3A_118, %min3A_119 : vector<768xf32>
    %swap3A_121 = arith.constant 1536 : index
    %swap3A_122 = vector.load %arg5[%swap3A_121] : memref<3072xf32, #tpu.memory_space<vmem>>, vector<768xf32>
    tpu.vector_store %arg5[%swap3A_121], %max3A_120 {strides = array<i32>} : memref<3072xf32, #tpu.memory_space<vmem>>, vector<768xf32>,
    %max3A_123 = arith.maximumf %get3A_115, %reshape3A_112 : vector<768xf32>
    %swap3A_124 = arith.constant 1536 : index
    %swap3A_125 = vector.load %arg4[%swap3A_124] : memref<3072xf32, #tpu.memory_space<vmem>>, vector<768xf32>
    tpu.vector_store %arg4[%swap3A_124], %max3A_123 {strides = array<i32>} : memref<3072xf32, #tpu.memory_space<vmem>>, vector<768xf32>,
    %get3A_126 = arith.constant 24 : index
    %get3A_127 = arith.constant 0 : index
    %get3A_128 = vector.load %arg2[%get3A_126, %get3A_127] : memref<32x768xf32, #tpu.memory_space<vmem>>, vector<8x768xf32>
    %get3A_129 = arith.constant 24 : index
    %get3A_130 = arith.constant 0 : index
    %get3A_131 = vector.load %arg3[%get3A_129, %get3A_130] : memref<32x768xf32, #tpu.memory_space<vmem>>, vector<8x768xf32>
    %slice3A_132 = vector.extract_strided_slice %get3A_128 {offsets = [0, 0], sizes = [4, 768], strides = [1, 1]} : vector<8x768xf32> to vector<4x768xf32>
    %slice3A_133 = vector.extract_strided_slice %get3A_128 {offsets = [4, 0], sizes = [4, 768], strides = [1, 1]} : vector<8x768xf32> to vector<4x768xf32>
    %slice3A_134 = vector.extract_strided_slice %get3A_131 {offsets = [0, 0], sizes = [4, 768], strides = [1, 1]} : vector<8x768xf32> to vector<4x768xf32>
    %slice3A_135 = vector.extract_strided_slice %get3A_131 {offsets = [4, 0], sizes = [4, 768], strides = [1, 1]} : vector<8x768xf32> to vector<4x768xf32>
    %max3A_136 = arith.maximumf %slice3A_134, %slice3A_135 : vector<4x768xf32>
    %min3A_137 = arith.minimumf %slice3A_132, %slice3A_133 : vector<4x768xf32>
    %max3A_138 = arith.maximumf %max3A_136, %min3A_137 : vector<4x768xf32>
    %max3A_139 = arith.maximumf %slice3A_132, %slice3A_133 : vector<4x768xf32>
    %slice3A_140 = vector.extract_strided_slice %max3A_139 {offsets = [0, 0], sizes = [2, 768], strides = [1, 1]} : vector<4x768xf32> to vector<2x768xf32>
    %slice3A_141 = vector.extract_strided_slice %max3A_139 {offsets = [2, 0], sizes = [2, 768], strides = [1, 1]} : vector<4x768xf32> to vector<2x768xf32>
    %slice3A_142 = vector.extract_strided_slice %max3A_138 {offsets = [0, 0], sizes = [2, 768], strides = [1, 1]} : vector<4x768xf32> to vector<2x768xf32>
    %slice3A_143 = vector.extract_strided_slice %max3A_138 {offsets = [2, 0], sizes = [2, 768], strides = [1, 1]} : vector<4x768xf32> to vector<2x768xf32>
    %max3A_144 = arith.maximumf %slice3A_142, %slice3A_143 : vector<2x768xf32>
    %min3A_145 = arith.minimumf %slice3A_140, %slice3A_141 : vector<2x768xf32>
    %max3A_146 = arith.maximumf %max3A_144, %min3A_145 : vector<2x768xf32>
    %max3A_147 = arith.maximumf %slice3A_140, %slice3A_141 : vector<2x768xf32>
    %slice3A_148 = vector.extract_strided_slice %max3A_147 {offsets = [0, 0], sizes = [1, 768], strides = [1, 1]} : vector<2x768xf32> to vector<1x768xf32>
    %slice3A_149 = vector.extract_strided_slice %max3A_147 {offsets = [1, 0], sizes = [1, 768], strides = [1, 1]} : vector<2x768xf32> to vector<1x768xf32>
    %slice3A_150 = vector.extract_strided_slice %max3A_146 {offsets = [0, 0], sizes = [1, 768], strides = [1, 1]} : vector<2x768xf32> to vector<1x768xf32>
    %slice3A_151 = vector.extract_strided_slice %max3A_146 {offsets = [1, 0], sizes = [1, 768], strides = [1, 1]} : vector<2x768xf32> to vector<1x768xf32>
    %max3A_152 = arith.maximumf %slice3A_150, %slice3A_151 : vector<1x768xf32>
    %min3A_153 = arith.minimumf %slice3A_148, %slice3A_149 : vector<1x768xf32>
    %max3A_154 = arith.maximumf %max3A_152, %min3A_153 : vector<1x768xf32>
    %max3A_155 = arith.maximumf %slice3A_148, %slice3A_149 : vector<1x768xf32>
    %reshape3A_156 = vector.shape_cast %max3A_155 : vector<1x768xf32> to vector<768xf32>
    %reshape3A_157 = vector.shape_cast %max3A_154 : vector<1x768xf32> to vector<768xf32>
    %get3A_158 = arith.constant 2304 : index
    %get3A_159 = vector.load %arg0[%get3A_158] : memref<3072xf32, #tpu.memory_space<vmem>>, vector<768xf32>
    %get3A_160 = arith.constant 2304 : index
    %get3A_161 = vector.load %arg1[%get3A_160] : memref<3072xf32, #tpu.memory_space<vmem>>, vector<768xf32>
    %max3A_162 = arith.maximumf %get3A_161, %reshape3A_157 : vector<768xf32>
    %min3A_163 = arith.minimumf %get3A_159, %reshape3A_156 : vector<768xf32>
    %max3A_164 = arith.maximumf %max3A_162, %min3A_163 : vector<768xf32>
    %swap3A_165 = arith.constant 2304 : index
    %swap3A_166 = vector.load %arg5[%swap3A_165] : memref<3072xf32, #tpu.memory_space<vmem>>, vector<768xf32>
    tpu.vector_store %arg5[%swap3A_165], %max3A_164 {strides = array<i32>} : memref<3072xf32, #tpu.memory_space<vmem>>, vector<768xf32>,
    %max3A_167 = arith.maximumf %get3A_159, %reshape3A_156 : vector<768xf32>
    %swap3A_168 = arith.constant 2304 : index
    %swap3A_169 = vector.load %arg4[%swap3A_168] : memref<3072xf32, #tpu.memory_space<vmem>>, vector<768xf32>
    tpu.vector_store %arg4[%swap3A_168], %max3A_167 {strides = array<i32>} : memref<3072xf32, #tpu.memory_space<vmem>>, vector<768xf32>,
    return
  }
}

</mosaic_0001>

<sc_bundles>
// kernel: kernel.5.cloned.1.call-start
scs
__scs_entry_jumppad:
0x0: {  	(pc) =	sbr.rel $0x88, $3  }
0x1: {  	(tag) =	ssettag $0x0;
	lr =	simm.s32 $0x1  }
0x2: {  	[smem:$0x3FA0] =	sst lr;
	_ =	strace $0xD0000000  }
0x3: {  	_ = 	snop  }
0x4: {  	_ = 	snop  }
0x5: {  	_ = 	snop  }
0x6: {  	_ = 	snop  }
0x7: {  	_ = 	snop  }
__scs_overlays_trampoline_lowered:
0x8: {  	[smem:$0x3FAF] =	sst s0  }
0x9: {  	[smem:$0x3FB0] =	sst s1  }
0xa: {  	[smem:$0x3FB1] =	sst s2  }
0xb: {  	[smem:$0x3FB2] =	sst s3  }
0xc: {  	[smem:$0x3FB3] =	sst s4  }
0xd: {  	[smem:$0x3FB4] =	sst s5  }
0xe: {  	[smem:$0x3FB5] =	sst s6  }
0xf: {  	[smem:$0x3FB6] =	sst s7  }
0x10: {  	[smem:$0x3FB7] =	sst s8  }
0x11: {  	[smem:$0x3FB8] =	sst s9;
	s0 =	simm.s32 @!p0 $0x0  }
0x12: {  	s1 =	sld [smem:$0x3F9E];
	s0 =	simm.s32 @p0 $0x1  }
0x13: {  	[smem:$0x3FB9] =	sst s0;
	s0 =	simm.s32 @!p1 $0x0  }
0x14: {  	s2 =	sld [smem:$0x3F9D];
	s0 =	simm.s32 @p1 $0x1  }
0x15: {  	[smem:$0x3FBA] =	sst s0;
	s0 =	simm.s32 @!p2 $0x0  }
0x16: {  	s3 =	sld [smem:$0x3FDB];
	s0 =	simm.s32 @p2 $0x1  }
0x17: {  	s4 =	simm.s32 $0x1BF5;
	[smem:$0x3FBC] =	sst s0  }
0x18: {  	s0 =	sld [smem:$0x3F9F];
	_ =	swait.ge [sflag:s4], $0x0  }
0x19: {  	s7 =	sld [smem:$0x3FA0]  }
0x1a: {  	s8 =	sadd.s32 $0xFFFFE003, lr  }
0x1b: {  	s9 =	sadd.s32 $0xFFFFFEF7, lr;
	s5 =	simm.s32 $0xFFFFFFFF;
	p2 =	slt.u32 s8, $0xFFFFF086  }
0x1c: {  	p1 =	slt.u32 s9, $0xF7A;
	s5 =	simm.s32 @!p2 $0x0  }
0x1d: {  	s5 =	simm.s32 @p1 $0x1;
	p0 =	seq.s32 s7, s2  }
0x1e: {  	s7 =	smul.u32 @!p0 $0xF7A, s2;
	p2 =	seq.s32 @!p0 s5, $0x0  }
0x1f: {  	s9 =	smul.u32 $0xF7A, s1;
	s8 =	simm.s32 @!p0 $0x1BF5;
	p2 =	por !p2, p0  }
0x20: {  	[sflag:s8] =	ssyncset.s32 @!p0 $0xFFFFF086;
	s6 =	sadd.s32 @!p0 s3, s7;
	s7 =	simm.s32 @!p0 $0x108  }
0x21: {  	s3 =	sadd.s32 s3, s9;
	s6 =	sadd.s32 @!p0 $0x88, s6;
	s7 =	simm.s32 @p2 $0x1082  }
0x22: {  	[simem:s7], [sflag:s8] =	dma.local @!p0 [hbm:s6], $0xF7A  }
0x23: {  	s9 =	sor.u32 $0xD0000000, s2;
	s6 =	simm.s32 $0x108;
	_ =	swait.ge @!p0 [sflag:s8], $0x0  }
0x24: {  	s3 =	sadd.s32 $0x88, s3;
	s6 =	simm.s32 @!p1 $0x1082;
	[sflag:s4] =	ssyncset.s32 $0xFFFFF086  }
0x25: {  	[simem:s6], [sflag:s4] =	dma.local [hbm:s3], $0xF7A  }
0x26: {  	[smem:$0x3FA0] =	sst s1;
	(tag) =	ssettag s2;
	_ =	strace s9  }
0x27: {  	s1 =	sld [smem:$0x3FB0]  }
0x28: {  	s2 =	sld [smem:$0x3FB1]  }
0x29: {  	s4 =	sld [smem:$0x3FB3]  }
0x2a: {  	p0 =	seq.s32 s5, $0x0;
	s5 =	sld [smem:$0x3FB4]  }
0x2b: {  	s6 =	sld [smem:$0x3FB5]  }
0x2c: {  	s7 =	sld [smem:$0x3FB6]  }
0x2d: {  	s3 =	simm.s32 $0x108;
	s8 =	sld [smem:$0x3FB7]  }
0x2e: {  	s3 =	simm.s32 @!p0 $0x1082;
	s9 =	sld [smem:$0x3FB8]  }
0x2f: {  	lr =	sadd.s32 s0, s3;
	s0 =	sld [smem:$0x3FAF]  }
0x30: {  	s3 =	sld [smem:$0x3FB2]  }
0x31: {  	[smem:$0x3FBB] =	sst s10  }
0x32: {  	s10 =	sld [smem:$0x3FB9];
	_ =	sdelay $0x3  }
0x33: {  	p0 =	seq.s32 s10, $0x1;
	s10 =	sld [smem:$0x3FBB];
	_ =	sdelay $0x3  }
0x34: {  	[smem:$0x3FBB] =	sst s10  }
0x35: {  	s10 =	sld [smem:$0x3FBA];
	_ =	sdelay $0x3  }
0x36: {  	p1 =	seq.s32 s10, $0x1;
	s10 =	sld [smem:$0x3FBB];
	_ =	sdelay $0x3  }
0x37: {  	[smem:$0x3FBB] =	sst s10  }
0x38: {  	s10 =	sld [smem:$0x3FBC]  }
0x39: {  	_ = 	snop;
	(pc) =	sbr.ind lr, $3  }
0x3a: {  	_ = 	snop  }
0x3b: {  	_ = 	snop  }
0x3c: {  	p2 =	seq.s32 s10, $0x1;
	s10 =	sld [smem:$0x3FBB]  }
0x3d: {  	_ =	shalt  }
0x3e: {  	_ =	shalt  }
0x3f: {  	_ =	shalt  }
0x40: {  	_ =	shalt  }
0x41: {  	_ =	shalt  }
0x42: {  	_ =	shalt  }
0x43: {  	_ =	shalt  }
0x44: {  	_ =	shalt  }
0x45: {  	_ =	shalt  }
0x46: {  	_ =	shalt  }
0x47: {  	_ =	shalt  }
0x48: {  	_ =	shalt  }
0x49: {  	_ =	shalt  }
0x4a: {  	_ =	shalt  }
0x4b: {  	_ =	shalt  }
0x4c: {  	_ =	shalt  }
0x4d: {  	_ =	shalt  }
0x4e: {  	_ =	shalt  }
0x4f: {  	_ =	shalt  }
0x50: {  	_ =	shalt  }
0x51: {  	_ =	shalt  }
0x52: {  	_ =	shalt  }
0x53: {  	_ =	shalt  }
0x54: {  	_ =	shalt  }
0x55: {  	_ =	shalt  }
0x56: {  	_ =	shalt  }
0x57: {  	_ =	shalt  }
0x58: {  	_ =	shalt  }
0x59: {  	_ =	shalt  }
0x5a: {  	_ =	shalt  }
0x5b: {  	_ =	shalt  }
0x5c: {  	_ =	shalt  }
0x5d: {  	_ =	shalt  }
0x5e: {  	_ =	shalt  }
0x5f: {  	_ =	shalt  }
0x60: {  	_ =	shalt  }
0x61: {  	_ =	shalt  }
0x62: {  	_ =	shalt  }
0x63: {  	_ =	shalt  }
0x64: {  	_ =	shalt  }
0x65: {  	_ =	shalt  }
0x66: {  	_ =	shalt  }
0x67: {  	_ =	shalt  }
0x68: {  	_ =	shalt  }
0x69: {  	_ =	shalt  }
0x6a: {  	_ =	shalt  }
0x6b: {  	_ =	shalt  }
0x6c: {  	_ =	shalt  }
0x6d: {  	_ =	shalt  }
0x6e: {  	_ =	shalt  }
0x6f: {  	_ =	shalt  }
0x70: {  	_ =	shalt  }
0x71: {  	_ =	shalt  }
0x72: {  	_ =	shalt  }
0x73: {  	_ =	shalt  }
0x74: {  	_ =	shalt  }
0x75: {  	_ =	shalt  }
0x76: {  	_ =	shalt  }
0x77: {  	_ =	shalt  }
0x78: {  	_ =	shalt  }
0x79: {  	_ =	shalt  }
0x7a: {  	_ =	shalt  }
0x7b: {  	_ =	shalt  }
0x7c: {  	_ =	shalt  }
0x7d: {  	_ =	shalt  }
0x7e: {  	_ =	shalt  }
0x7f: {  	_ =	shalt  }
0x80: {  	_ =	shalt  }
0x81: {  	_ =	shalt  }
0x82: {  	_ =	shalt  }
0x83: {  	_ =	shalt  }
0x84: {  	_ =	shalt  }
0x85: {  	_ =	shalt  }
0x86: {  	_ =	shalt  }
0x87: {  	_ =	shalt  }
.Lfunc_end0:
.L_simem_size_0:
called_computation_lowered:
.L_overlay_start_0:
0x88: {  	s2 =	sld [smem:$0x3FD9]  }
0x89: {  	s3 =	sld [smem:$0x3FFE];
	_ =	sdelay $0x1  }
0x8a: {  	s1 =	srdreg.scid  }
0x8b: {  	s0 =	sand.u32 $0x1, s1  }
0x8c: {  	s17 =	sshll.u32 s0, $0xA;
	s2 =	sadd.s32 s3, s2  }
0x8d: {  	s2 =	sadd.s32 s2, s17  }
0x8e: {  	[smem:$0x3FC7] =	sst s2  }
0x8f: {  	_ = 	snop  }
0x90: {  	s2 =	sld [smem:$0x3FC9]  }
0x91: {  	s18 =	sld [smem:$0x3FD0];
	(tm) =	ssettm $0x1  }
0x92: {  	s4 =	sld [smem:$0x3FFB];
	_ =	sdelay $0x3  }
0x93: {  	_ =	strace s4  }
0x94: {  	s4 =	sld [smem:$0x3FFC];
	_ =	sdelay $0x3  }
0x95: {  	_ =	strace s4  }
0x96: {  	s4 =	sld [smem:$0x3FFD];
	_ =	sdelay $0x3  }
0x97: {  	_ =	strace s4  }
0x98: {  	_ =	strace $0x8FFFFFFF  }
0x99: {  	s19 =	sld [smem:$0x3FDB];
	_ =	sdelay $0x1  }
0x9a: {  	s5 =	simm.s32 $_scs_section_size  }
0x9b: {  	s6 =	simm.s32 $_size__tile_overlayer_lowered;
	s7 =	simm.s32 $_tile_overlayer_lowered  }
0x9c: {  	s22 =	simm.s32 $0x1BFF;
	s21 =	sshll.u32 s7, $0x1;
	s4 =	sadd.s32 s5, s19  }
0x9d: {  	s8 =	simm.s32 $0x0;
	s20 =	sshll.u32 s6, $0x1;
	s6 =	sadd.s32 s21, s4  }
0x9e: {  	[timem:s8], [sflag:s22] =	dma.local [hbm:s6], s20  }
0x9f: {  	_ =	swait.ge [sflag:s22], s20  }
0xa0: {  	s5 =	ssub.s32 $0x0, s20;
	[sflag:s22] =	ssyncset.done $0x0  }
0xa1: {  	[sflag:s22] =	ssyncadd.s32 s5;
	_ =	sdelay $0x1  }
0xa2: {  	s23 =	simm.s32 $0x1B8B  }
0xa3: {  	_ =	swait.ge [sflag:s23], $0x1  }
0xa4: {  	[sflag:s23] =	ssyncset.done $0x0  }
0xa5: {  	s25 =	simm.s32 $0x1B8E;
	s24 =	sld [smem:$0x3FFE];
	[sflag:s23] =	ssyncadd.s32 $0xFFFFFFFF  }
0xa6: {  	s26 =	simm.s32 $execute0_lowered;
	[smem:$0x3FD2] =	sst s25  }
0xa7: {  	s6 =	sshll.u32 s26, $0x1;
	_ =	strace $0x80000046;
	[dreg:$0x1] =	wrdreg $0xFFFFFFFF  }
0xa8: {  	s28 =	simm.s32 $_size_execute0_lowered;
	s4 =	sadd.s32 s4, s6;
	[dreg:$0x0] =	wrdreg $0x0  }
0xa9: {  	s6 =	sshll.u32 s28, $0x1;
	[dreg:$0x2] =	wrdreg s4  }
0xaa: {  	[dreg:$0x3] =	wrdreg s6  }
0xab: {  	[dreg:$0x4] =	wrdreg $0xC0  }
0xac: {  	_ =	task [dreg:s8], $0x5FFFF  }
0xad: {  	[dreg:$0x1] =	wrdreg $0xFFFFFFFF  }
0xae: {  	[dreg:$0x0] =	wrdreg $0x60  }
0xaf: {  	[dreg:$0x2] =	wrdreg s2  }
0xb0: {  	[dreg:$0x3] =	wrdreg s18  }
0xb1: {  	[dreg:$0x4] =	wrdreg s24  }
0xb2: {  	[dreg:$0x5] =	wrdreg $0x186000  }
0xb3: {  	[dreg:$0x6] =	wrdreg $0x9  }
0xb4: {  	_ =	task.clear_ibuf [dreg:s8], $0x7FFFF;
	_ =	strace $0x90000046  }
0xb5: {  	s29 =	simm.s32 $0x9;
	_ =	strace $0x80000048  }
0xb6: {  	_ =	swait.ge [sflag:s29], $0x1  }
0xb7: {  	[sflag:s29] =	ssyncadd.s32 $0xFFFFFFFF  }
0xb8: {  	_ =	strace $0x90000048  }
0xb9: {  	_ =	sfence  }
0xba: {  	s30 =	sld [smem:$0x0];
	_ =	sdelay $0x2  }
0xbb: {  	s31 =	sshll.u32 s1, $0xD;
	s1 =	sshrl.u32 s1, $0x2  }
0xbc: {  	s3 =	sand.u32 $0x4000, s31;
	s1 =	sadd.s32 s1, s30  }
0xbd: {  	s0 =	sor.u32 s3, s0;
	s1 =	sshll.u32 s1, $0x11  }
0xbe: {  	s0 =	sor.u32 s1, s0  }
0xbf: {  	s0 =	sadd.s32 $0x8F2B, s0  }
0xc0: {  	[sflag:s0] =	ssyncadd.remote.s32 $0x1  }
0xc1: {  	_ =	sfence.sel $0xFFFF  }
0xc2: {  	[dreg:$0x0] =	wrdreg $0xFFFFFFFF;
	(pc) =	sbr.abs _section_cstart, $3  }
0xc3: {  	[dreg:$0x1] =	wrdreg $0xFFFFFFFF  }
0xc4: {  	_ =	task.clear_ibuf [dreg:s8], $0x2FFFF;
	_ =	strace $0x9FFFFFFF  }
0xc5: {  	(tm) =	ssettm $0x7FFFFFFF  }
tec
execute0_lowered:
.L_overlay_start_1:
0x0: {  	(tag) =	ssettag $0x1  }
0x1: {  	s1 =	rddreg [dreg:$0x0]  }
0x2: {  	s2 =	rddreg [dreg:$0x1]  }
0x3: {  	s3 =	srdreg.scid;
	s6 =	rddreg [dreg:$0x2]  }
0x4: {  	s0 =	stileid.u32;
	s9 =	rddreg [dreg:$0x3]  }
0x5: {  	s17 =	simm.s32 $0x3;
	s18 =	simm.s32 $0x18C00;
	s19 =	simm.s32 $0x1BC00  }
0x6: {  	s20 =	simm.s32 $0x1BC80;
	s11 =	sand.u32 $0x7, s0;
	s14 =	smul.u32 $0x1800, s0  }
0x7: {  	s21 =	simm.s32 $0x0;
	s8 =	sshrl.u32 s0, $0x3;
	s4 =	smul.u32 $0x60, s11  }
0x8: {  	s7 =	sand.u32 $0x1, s3;
	s12 =	sshll.u32 s0, $0x9;
	s16 =	smul.u32 $0xC000, s8  }
0x9: {  	s3 =	sshll.u32 s7, $0x1;
	s7 =	ssub.s32 $0x2, s7;
	s11 =	smul.u32 $0x180, s11  }
0xa: {  	s10 =	sor.u32 s8, s3;
	s3 =	simm.s32 $0x0;
	s13 =	sshrl.u32 s7, $0x1  }
0xb: {  	s29 =	sshrl.u32 s14, $0x2;
	s14 =	simm.s32 $0x1;
	s5 =	sshll.u32 s10, $0xD  }
0xc: {  	[smem:$0x7FF] =	sst s3;
	s10 =	smul.u32 $0x300, s10;
	s13 =	ssub.s32 s7, s13  }
0xd: {  	s8 =	sadd.s32 s29, s9;
	s30 =	sshrl.u32 s16, $0x2;
	s31 =	sshrl.u32 s11, $0x2  }
0xe: {  	s16 =	simm.s32 $0x18000;
	s5 =	sor.u32 s12, s5;
	_ =	strace $0x80000047  }
0xf: {  	s9 =	sadd.s32 s30, s9;
	s12 =	sshrl.u32 s5, $0x3;
	s10 =	sadd.s32 s4, s10  }
0x10: {  	s7 =	sor.u32 $0x1080, s5;
	s12 =	sor.u32 $0x200, s12;
	s10 =	sshrl.u32 s10, $0x3  }
0x11: {  	s12 =	smul.u32 $0x300, s12;
	s15 =	sadd.s32 s10, s6;
	s10 =	sadd.s32 s2, s10  }
0x12: {  	s2 =	sor.u32 $0x18C00, s31;
	s11 =	sadd.s32 $0x1000, s15;
	s15 =	simm.s32 $0x2  }
0x13: {  	v0 =	vimm.f32 $-Inf;
	v1 =	vmov s2;
	s6 =	sadd.s32 s1, s12;
	s12 =	smax.u32 s13, $0x1;
	s13 =	simm.s32 $0xC000  }
.LBB2_1:
0x14: {  	s2 =	simm.s32 $0x40;
	s22 =	simm.s32 $0x0  }
.LBB2_2:
0x15: {  	p0 =	sne.s32 s2, $0x17C0;
	[tilespmem:s22+$0x18000] =	vst v0;
	s22 =	smov.u32 s2;
	s2 =	sadd.s32 $0x40, s2  }
.Ltmp0:
0x16: {  	(pc) =	sbr.rel @p0 .LBB2_2-.Ltmp0, $2  }
0x17: {  	_ =	sdelay $0x2  }
0x18: {  	s22 =	sshra.s32 s22, $0x2  }
0x19: {  	[tilespmem:s22+$0x18000] =	vst v0;
	s22 =	simm.s32 $0x0;
	s23 =	simm.s32 $0x0  }
0x1a: {  	[tilespmem:s22], [sflag:$0x1] =	stream.linear.gather [hbm4b:s6+s22], $0xC000, $0x38;
	[tilespmem:$0x1BD00] =	vst v63  }
.LBB2_4:
0x1b: {  	s24 =	sshll.u32 s23, $0x7  }
0x1c: {  	s2 =	sor.u32 s24, s5  }
0x1d: {  	s2 =	sshrl.u32 s2, $0x3  }
0x1e: {  	s2 =	sor.u32 $0x208, s2  }
0x1f: {  	s2 =	smul.u32 $0x300, s2;
	_ =	sdelay $0x1  }
0x20: {  	s2 =	sadd.s32 s1, s2  }
0x21: {  	[tilespmem:s13], [sflag:$0x2] =	stream.linear.gather [hbm4b:s2+s22], $0xC000, $0x38;
	[tilespmem:$0x1BD00] =	vst v63  }
0x22: {  	_ =	swait.ge [sflag:s14], $0xC000  }
0x23: {  	s25 =	simm.s32 $0x0;
	[sflag:s14] =	ssyncset.done $0x0  }
0x24: {  	s26 =	simm.s32 $0x0;
	s28 =	simm.s32 $0x0;
	[sflag:s14] =	ssyncadd.s32 $0xFFFF4000  }
.LBB2_5:
0x25: {  	s2 =	sshll.u32 s26, $0x2;
	s29 =	sand.u32 $0x7, s25  }
0x26: {  	s2 =	sand.u32 $0xFFFFF000, s2;
	s29 =	sshll.u32 s29, $0x6  }
0x27: {  	s2 =	sor.u32 s29, s2  }
0x28: {  	s2 =	sshrl.u32 s2, $0x2  }
0x29: {  	s2 =	sor.u32 $0x200, s2  }
0x2a: {  	v2 =	vmov s2;
	_ =	sdelay $0x1  }
0x2b: {  	s29 =	sshll.u32 s28, $0x4  }
0x2c: {  	v4 =	vld [tilespmem:s29+$0x18000];
	s30 =	sand.u32 $0x3F0, s29  }
0x2d: {  	v6 =	vld [tilespmem:s30+$0x18300];
	s2 =	simm.s32 $0x0  }
0x2e: {  	v5 =	vld.idx.msk [tilespmem:v2+s2+$0xFFFFFE00 ss:$0x1], $0xffff  }
0x2f: {  	v7 =	vld.idx.msk [tilespmem:v2+s2+$0xFFFFFE80 ss:$0x1], $0xffff  }
0x30: {  	v8 =	vld.idx.msk [tilespmem:v2+s2+$0xFFFFFF00 ss:$0x1], $0xffff  }
0x31: {  	v9 =	vld.idx.msk [tilespmem:v2+s2+$0xFFFFFF80 ss:$0x1], $0xffff  }
0x32: {  	v10 =	vld.idx.msk [tilespmem:v2+s2+$0x0 ss:$0x1], $0xffff  }
0x33: {  	v11 =	vld.idx.msk [tilespmem:v2+s2+$0x80 ss:$0x1], $0xffff  }
0x34: {  	v13 =	vld.idx.msk [tilespmem:v2+s2+$0x100 ss:$0x1], $0xffff;
	v12 =	vmax.f32 v4, v5  }
0x35: {  	s31 =	simm.s32 $0x1800;
	v3 =	vld.idx.msk [tilespmem:v2+s2+$0x180 ss:$0x1], $0xffff;
	v14 =	vmax.f32 v12, v7  }
0x36: {  	v15 =	vld.idx.msk [tilespmem:v2+s31+$0xFFFFFE00 ss:$0x1], $0xffff;
	v4 =	vmin.f32 v4, v5;
	v7 =	vmin.f32 v12, v7;
	v12 =	vmax.f32 v14, v8  }
0x37: {  	v5 =	vld.idx.msk [tilespmem:v2+s31+$0xFFFFFE80 ss:$0x1], $0xffff;
	v6 =	vmax.f32 v6, v4;
	v8 =	vmin.f32 v14, v8;
	v14 =	vmax.f32 v12, v9  }
0x38: {  	v4 =	vld.idx.msk [tilespmem:v2+s31+$0xFFFFFF00 ss:$0x1], $0xffff;
	v7 =	vmax.f32 v6, v7;
	v9 =	vmin.f32 v12, v9;
	v12 =	vmax.f32 v14, v10  }
0x39: {  	v6 =	vld.idx.msk [tilespmem:v2+s31+$0xFFFFFF80 ss:$0x1], $0xffff;
	v8 =	vmax.f32 v7, v8;
	v10 =	vmin.f32 v14, v10;
	v14 =	vmax.f32 v12, v11  }
0x3a: {  	v7 =	vld.idx.msk [tilespmem:v2+s31+$0x0 ss:$0x1], $0xffff;
	v9 =	vmax.f32 v8, v9;
	v16 =	vmin.f32 v12, v11;
	v11 =	vmax.f32 v14, v13  }
0x3b: {  	v8 =	vld.idx.msk [tilespmem:v2+s31+$0x80 ss:$0x1], $0xffff;
	v17 =	vmax.f32 v9, v10;
	v13 =	vmin.f32 v14, v13;
	v9 =	vmax.f32 v11, v3  }
0x3c: {  	s2 =	simm.s32 $0xC000;
	v14 =	vmax.f32 v17, v16;
	v10 =	vmin.f32 v9, v15;
	v12 =	vmax.f32 v9, v15;
	v9 =	vld.idx.msk [tilespmem:v2+s31+$0x100 ss:$0x1], $0xffff  }
.LBB2_6:
0x3d: {  	p0 =	sne.s32 s2, $0x2A000;
	v15 =	vmax.f32 v12, v5;
	v13 =	vmax.f32 v14, v13;
	v11 =	vmin.f32 v11, v3;
	v3 =	vld.idx.msk [tilespmem:v2+s31+$0x180 ss:$0x1], $0xffff;
	s31 =	sshra.s32 s2, $0x2;
	s2 =	sadd.s32 $0x6000, s2  }
0x3e: {  	v12 =	vmin.f32 v12, v5;
	v14 =	vld.idx.msk [tilespmem:v2+s31+$0xFFFFFE00 ss:$0x1], $0xffff;
	v16 =	vmax.f32 v15, v4;
	v11 =	vmax.f32 v13, v11  }
0x3f: {  	v5 =	vld.idx.msk [tilespmem:v2+s31+$0xFFFFFE80 ss:$0x1], $0xffff;
	v10 =	vmax.f32 v11, v10;
	v11 =	vmin.f32 v15, v4;
	v13 =	vmax.f32 v16, v6  }
.Ltmp1:
0x40: {  	v4 =	vld.idx.msk [tilespmem:v2+s31+$0xFFFFFF00 ss:$0x1], $0xffff;
	v10 =	vmax.f32 v10, v12;
	v12 =	vmin.f32 v16, v6;
	v15 =	vmax.f32 v13, v7;
	(pc) =	sbr.rel @p0 .LBB2_6-.Ltmp1, $4  }
0x41: {  	v13 =	vmin.f32 v13, v7;
	v6 =	vld.idx.msk [tilespmem:v2+s31+$0xFFFFFF80 ss:$0x1], $0xffff;
	v10 =	vmax.f32 v10, v11;
	v16 =	vmax.f32 v15, v8  }
0x42: {  	v15 =	vmin.f32 v15, v8;
	v7 =	vld.idx.msk [tilespmem:v2+s31+$0x0 ss:$0x1], $0xffff;
	v10 =	vmax.f32 v10, v12;
	v11 =	vmax.f32 v16, v9  }
0x43: {  	v8 =	vld.idx.msk [tilespmem:v2+s31+$0x80 ss:$0x1], $0xffff;
	v17 =	vmax.f32 v10, v13;
	v13 =	vmin.f32 v16, v9;
	v9 =	vmax.f32 v11, v3  }
0x44: {  	v10 =	vmin.f32 v9, v14;
	v12 =	vmax.f32 v9, v14;
	v9 =	vld.idx.msk [tilespmem:v2+s31+$0x100 ss:$0x1], $0xffff;
	v14 =	vmax.f32 v17, v15  }
0x45: {  	_ = 	snop  }
0x46: {  	v13 =	vmax.f32 v14, v13;
	v3 =	vmin.f32 v11, v3  }
0x47: {  	v3 =	vmax.f32 v13, v3  }
0x48: {  	v54 =	vmax.f32 v12, v5;
	v55 =	vmin.f32 v12, v5;
	v3 =	vmax.f32 v3, v10  }
0x49: {  	v2 =	vld.idx.msk [tilespmem:v2+s31+$0x180 ss:$0x1], $0xffff;
	v56 =	vmax.f32 v54, v4;
	v57 =	vmin.f32 v54, v4;
	v3 =	vmax.f32 v3, v55  }
0x4a: {  	s28 =	sadd.s32 $0x1, s28;
	v58 =	vmax.f32 v56, v6;
	v59 =	vmin.f32 v56, v6;
	v3 =	vmax.f32 v3, v57  }
0x4b: {  	p0 =	sne.s32 s28, $0x30;
	v60 =	vmax.f32 v58, v7;
	v5 =	vmin.f32 v58, v7;
	v3 =	vmax.f32 v3, v59  }
.Ltmp2:
0x4c: {  	v61 =	vmax.f32 v60, v8;
	v4 =	vmin.f32 v60, v8;
	v3 =	vmax.f32 v3, v5;
	(pc) =	sbr.rel @p0 .LBB2_5-.Ltmp2, $4  }
0x4d: {  	v62 =	vmax.f32 v61, v9;
	v6 =	vmin.f32 v61, v9;
	v3 =	vmax.f32 v3, v4  }
0x4e: {  	v63 =	vmax.f32 v62, v2;
	v2 =	vmin.f32 v62, v2;
	v3 =	vmax.f32 v3, v6  }
0x4f: {  	[tilespmem:s29+$0x18000] =	vst v63;
	v2 =	vmax.f32 v3, v2  }
0x50: {  	s26 =	sadd.s32 $0x80, s26;
	s25 =	sadd.s32 $0x1, s25;
	[tilespmem:s30+$0x18300] =	vst v2  }
0x51: {  	p0 =	seq.s32 s23, $0x3  }
0x52: {  	s2 =	sadd.s32 @!p0 s24, s7  }
0x53: {  	s2 =	sshrl.u32 @!p0 s2, $0x3  }
0x54: {  	s2 =	smul.u32 @!p0 $0x300, s2;
	_ =	sdelay $0x1  }
0x55: {  	s24 =	simm.s32 @!p0 $0x0;
	s2 =	sadd.s32 @!p0 s1, s2  }
0x56: {  	[tilespmem:s24], [sflag:$0x1] =	stream.linear.gather @!p0 [hbm4b:s2+s24], $0xC000, $0x38;
	[tilespmem:$0x1BD00] =	vst v63  }
0x57: {  	_ =	swait.ge [sflag:s15], $0xC000  }
0x58: {  	s25 =	simm.s32 $0x0;
	[sflag:s15] =	ssyncset.done $0x0  }
0x59: {  	s26 =	simm.s32 $0x0;
	s24 =	simm.s32 $0x0;
	[sflag:s15] =	ssyncadd.s32 $0xFFFF4000  }
.LBB2_9:
0x5a: {  	s2 =	sshll.u32 s25, $0x2;
	s28 =	sand.u32 $0x7, s24  }
0x5b: {  	s2 =	sand.u32 $0xFFFFF000, s2;
	s28 =	sshll.u32 s28, $0x6  }
0x5c: {  	s2 =	sor.u32 s28, s2  }
0x5d: {  	s2 =	sshrl.u32 s2, $0x2  }
0x5e: {  	s2 =	sadd.s32 $0xC200, s2  }
0x5f: {  	v2 =	vmov s2;
	_ =	sdelay $0x1  }
0x60: {  	s28 =	sshll.u32 s26, $0x4  }
0x61: {  	v4 =	vld [tilespmem:s28+$0x18000];
	s29 =	sand.u32 $0x3F0, s28  }
0x62: {  	s31 =	simm.s32 $0x0;
	v6 =	vld [tilespmem:s29+$0x18300]  }
0x63: {  	v5 =	vld.idx.msk [tilespmem:v2+s31+$0xFFFFFE00 ss:$0x1], $0xffff  }
0x64: {  	v7 =	vld.idx.msk [tilespmem:v2+s31+$0xFFFFFE80 ss:$0x1], $0xffff  }
0x65: {  	v8 =	vld.idx.msk [tilespmem:v2+s31+$0xFFFFFF00 ss:$0x1], $0xffff  }
0x66: {  	v9 =	vld.idx.msk [tilespmem:v2+s31+$0xFFFFFF80 ss:$0x1], $0xffff  }
0x67: {  	v10 =	vld.idx.msk [tilespmem:v2+s31+$0x0 ss:$0x1], $0xffff  }
0x68: {  	v11 =	vld.idx.msk [tilespmem:v2+s31+$0x80 ss:$0x1], $0xffff  }
0x69: {  	v13 =	vld.idx.msk [tilespmem:v2+s31+$0x100 ss:$0x1], $0xffff;
	v12 =	vmax.f32 v4, v5  }
0x6a: {  	s30 =	simm.s32 $0x1800;
	v3 =	vld.idx.msk [tilespmem:v2+s31+$0x180 ss:$0x1], $0xffff;
	v14 =	vmax.f32 v12, v7  }
0x6b: {  	v15 =	vld.idx.msk [tilespmem:v2+s30+$0xFFFFFE00 ss:$0x1], $0xffff;
	v4 =	vmin.f32 v4, v5;
	v7 =	vmin.f32 v12, v7;
	v12 =	vmax.f32 v14, v8  }
0x6c: {  	v5 =	vld.idx.msk [tilespmem:v2+s30+$0xFFFFFE80 ss:$0x1], $0xffff;
	v6 =	vmax.f32 v6, v4;
	v8 =	vmin.f32 v14, v8;
	v14 =	vmax.f32 v12, v9  }
0x6d: {  	v4 =	vld.idx.msk [tilespmem:v2+s30+$0xFFFFFF00 ss:$0x1], $0xffff;
	v7 =	vmax.f32 v6, v7;
	v9 =	vmin.f32 v12, v9;
	v12 =	vmax.f32 v14, v10  }
0x6e: {  	v6 =	vld.idx.msk [tilespmem:v2+s30+$0xFFFFFF80 ss:$0x1], $0xffff;
	v8 =	vmax.f32 v7, v8;
	v10 =	vmin.f32 v14, v10;
	v14 =	vmax.f32 v12, v11  }
0x6f: {  	v7 =	vld.idx.msk [tilespmem:v2+s30+$0x0 ss:$0x1], $0xffff;
	v9 =	vmax.f32 v8, v9;
	v16 =	vmin.f32 v12, v11;
	v11 =	vmax.f32 v14, v13  }
0x70: {  	v8 =	vld.idx.msk [tilespmem:v2+s30+$0x80 ss:$0x1], $0xffff;
	v17 =	vmax.f32 v9, v10;
	v13 =	vmin.f32 v14, v13;
	v9 =	vmax.f32 v11, v3  }
0x71: {  	s2 =	simm.s32 $0xC000;
	v14 =	vmax.f32 v17, v16;
	v10 =	vmin.f32 v9, v15;
	v12 =	vmax.f32 v9, v15;
	v9 =	vld.idx.msk [tilespmem:v2+s30+$0x100 ss:$0x1], $0xffff  }
.LBB2_10:
0x72: {  	p0 =	sne.s32 s2, $0x2A000;
	v15 =	vmax.f32 v12, v5;
	v13 =	vmax.f32 v14, v13;
	v11 =	vmin.f32 v11, v3;
	v3 =	vld.idx.msk [tilespmem:v2+s30+$0x180 ss:$0x1], $0xffff;
	s30 =	sshra.s32 s2, $0x2;
	s2 =	sadd.s32 $0x6000, s2  }
0x73: {  	v12 =	vmin.f32 v12, v5;
	v14 =	vld.idx.msk [tilespmem:v2+s30+$0xFFFFFE00 ss:$0x1], $0xffff;
	v16 =	vmax.f32 v15, v4;
	v11 =	vmax.f32 v13, v11  }
0x74: {  	v5 =	vld.idx.msk [tilespmem:v2+s30+$0xFFFFFE80 ss:$0x1], $0xffff;
	v10 =	vmax.f32 v11, v10;
	v11 =	vmin.f32 v15, v4;
	v13 =	vmax.f32 v16, v6  }
.Ltmp3:
0x75: {  	v4 =	vld.idx.msk [tilespmem:v2+s30+$0xFFFFFF00 ss:$0x1], $0xffff;
	v10 =	vmax.f32 v10, v12;
	v12 =	vmin.f32 v16, v6;
	v15 =	vmax.f32 v13, v7;
	(pc) =	sbr.rel @p0 .LBB2_10-.Ltmp3, $4  }
0x76: {  	v13 =	vmin.f32 v13, v7;
	v6 =	vld.idx.msk [tilespmem:v2+s30+$0xFFFFFF80 ss:$0x1], $0xffff;
	v10 =	vmax.f32 v10, v11;
	v16 =	vmax.f32 v15, v8  }
0x77: {  	v15 =	vmin.f32 v15, v8;
	v7 =	vld.idx.msk [tilespmem:v2+s30+$0x0 ss:$0x1], $0xffff;
	v10 =	vmax.f32 v10, v12;
	v11 =	vmax.f32 v16, v9  }
0x78: {  	v8 =	vld.idx.msk [tilespmem:v2+s30+$0x80 ss:$0x1], $0xffff;
	v17 =	vmax.f32 v10, v13;
	v13 =	vmin.f32 v16, v9;
	v9 =	vmax.f32 v11, v3  }
0x79: {  	v10 =	vmin.f32 v9, v14;
	v12 =	vmax.f32 v9, v14;
	v9 =	vld.idx.msk [tilespmem:v2+s30+$0x100 ss:$0x1], $0xffff;
	v14 =	vmax.f32 v17, v15  }
0x7a: {  	_ = 	snop  }
0x7b: {  	v13 =	vmax.f32 v14, v13;
	v3 =	vmin.f32 v11, v3  }
0x7c: {  	v3 =	vmax.f32 v13, v3  }
0x7d: {  	v54 =	vmax.f32 v12, v5;
	v55 =	vmin.f32 v12, v5;
	v3 =	vmax.f32 v3, v10  }
0x7e: {  	v2 =	vld.idx.msk [tilespmem:v2+s30+$0x180 ss:$0x1], $0xffff;
	v56 =	vmax.f32 v54, v4;
	v57 =	vmin.f32 v54, v4;
	v3 =	vmax.f32 v3, v55  }
0x7f: {  	s26 =	sadd.s32 $0x1, s26;
	v58 =	vmax.f32 v56, v6;
	v59 =	vmin.f32 v56, v6;
	v3 =	vmax.f32 v3, v57  }
0x80: {  	p0 =	sne.s32 s26, $0x30;
	v60 =	vmax.f32 v58, v7;
	v5 =	vmin.f32 v58, v7;
	v3 =	vmax.f32 v3, v59  }
.Ltmp4:
0x81: {  	v61 =	vmax.f32 v60, v8;
	v4 =	vmin.f32 v60, v8;
	v3 =	vmax.f32 v3, v5;
	(pc) =	sbr.rel @p0 .LBB2_9-.Ltmp4, $4  }
0x82: {  	v62 =	vmax.f32 v61, v9;
	v6 =	vmin.f32 v61, v9;
	v3 =	vmax.f32 v3, v4  }
0x83: {  	v63 =	vmax.f32 v62, v2;
	v2 =	vmin.f32 v62, v2;
	v3 =	vmax.f32 v3, v6  }
0x84: {  	[tilespmem:s28+$0x18000] =	vst v63;
	v2 =	vmax.f32 v3, v2  }
0x85: {  	s25 =	sadd.s32 $0x80, s25;
	s24 =	sadd.s32 $0x1, s24;
	[tilespmem:s29+$0x18300] =	vst v2  }
0x86: {  	s23 =	sadd.s32 $0x1, s23  }
0x87: {  	p0 =	sne.s32 s23, $0x4  }
.Ltmp5:
0x88: {  	_ = 	snop;
	(pc) =	sbr.rel @p0 .LBB2_4-.Ltmp5, $1  }
0x89: {  	_ =	sdelay $0x3  }
0x8a: {  	[spmem:s8] =	stream.linear.scatter [tilespmem:s16], [sflag:$0x3], $0x600, $0x38;
	[tilespmem:$0x1BD00] =	vst v63  }
0x8b: {  	_ =	swait.ge [sflag:s17], $0x600  }
0x8c: {  	[sflag:s17] =	ssyncset.done $0x0  }
0x8d: {  	[sflag:s17] =	ssyncadd.s32 $0xFFFFFA00  }
0x8e: {  	[bflag:$0x0] =	sbarrier.arrive $0xFFFF  }
0x8f: {  	[tilespmem:s18], [sflag:$0x3] =	stream.linear.gather [spmem:s9], $0x3000, $0x38;
	[tilespmem:$0x1BD00] =	vst v63  }
0x90: {  	_ =	swait.ge [sflag:s17], $0x3000  }
0x91: {  	[sflag:s17] =	ssyncset.done $0x0  }
0x92: {  	s22 =	simm.s32 $0x0;
	[sflag:s17] =	ssyncadd.s32 $0xFFFFD000  }
0x93: {  	s23 =	sand.u32 $0x7F0, s4;
	v4 =	vld.idx.msk [tilespmem:v1+s22+$0x0 ss:$0x1], $0xffff  }
0x94: {  	v6 =	vld [tilespmem:s23+$0x19800]  }
0x95: {  	v8 =	vld [tilespmem:s23+$0x19500]  }
0x96: {  	v3 =	vld [tilespmem:s23+$0x18F00]  }
0x97: {  	v9 =	vld [tilespmem:s23+$0x19200]  }
0x98: {  	v7 =	vld [tilespmem:s23+$0x19B00]  }
0x99: {  	v2 =	vld [tilespmem:s23+$0x1AA00]  }
0x9a: {  	v5 =	vld [tilespmem:s23+$0x1A100];
	v10 =	vmin.f32 v4, $-Inf  }
0x9b: {  	v10 =	vmax.f32 v3, v10;
	v3 =	vld [tilespmem:s23+$0x19E00]  }
0x9c: {  	v11 =	vmax.f32 v4, v9;
	v8 =	vmax.f32 v10, v8;
	v10 =	vmin.f32 v4, v9;
	v4 =	vld [tilespmem:s23+$0x1A700]  }
0x9d: {  	s24 =	simm.s32 $0x40;
	s25 =	smov.u32 s4;
	v9 =	vmin.f32 v11, v6;
	v10 =	vmax.f32 v8, v10;
	v8 =	vmax.f32 v11, v6;
	v6 =	vld [tilespmem:s23+$0x1A400]  }
.LBB2_14:
0x9e: {  	p0 =	sne.s32 s24, $0x140  }
0x9f: {  	v7 =	vmax.f32 v10, v7;
	v10 =	vld [tilespmem:s23+$0x1B000];
	s25 =	sadd.s32 $0x10, s25;
	s2 =	smov.u32 s24;
	s24 =	sadd.s32 $0x40, s24  }
0xa0: {  	s2 =	sshra.s32 s2, $0x2;
	v7 =	vmax.f32 v7, v9;
	v9 =	vld [tilespmem:s23+$0x1AD00]  }
0xa1: {  	v5 =	vmax.f32 v7, v5;
	v7 =	vmin.f32 v8, v3;
	v11 =	vld [tilespmem:s23+$0x1B600]  }
0xa2: {  	s26 =	sand.u32 $0x7F0, s25;
	v3 =	vmax.f32 v8, v3;
	v5 =	vmax.f32 v5, v7;
	v7 =	vld [tilespmem:s23+$0x1B300]  }
0xa3: {  	v4 =	vmax.f32 v5, v4;
	v5 =	vmin.f32 v3, v6;
	v3 =	vmax.f32 v3, v6  }
0xa4: {  	v4 =	vmax.f32 v4, v5;
	v5 =	vmax.f32 v3, v2;
	v6 =	vld [tilespmem:s23+$0x1B900];
	s23 =	smov.u32 s26  }
0xa5: {  	v2 =	vmin.f32 v3, v2;
	v4 =	vmax.f32 v4, v9;
	v3 =	vmax.f32 v5, v10  }
0xa6: {  	v2 =	vmax.f32 v4, v2;
	v4 =	vmax.f32 v3, v11  }
0xa7: {  	v5 =	vmin.f32 v5, v10;
	v2 =	vmax.f32 v2, v7;
	[tilespmem:s22+$0x1BC00] =	vst v4  }
0xa8: {  	v2 =	vmax.f32 v2, v5  }
0xa9: {  	v3 =	vmin.f32 v3, v11;
	v2 =	vmax.f32 v2, v6  }
0xaa: {  	v2 =	vmax.f32 v2, v3  }
0xab: {  	[tilespmem:s22+$0x1BC80] =	vst v2;
	s22 =	smov.u32 s2  }
0xac: {  	v4 =	vld.idx.msk [tilespmem:v1+s22+$0x0 ss:$0x1], $0xffff  }
0xad: {  	v6 =	vld [tilespmem:s23+$0x19800]  }
0xae: {  	v8 =	vld [tilespmem:s23+$0x19500]  }
0xaf: {  	v3 =	vld [tilespmem:s23+$0x18F00]  }
0xb0: {  	v9 =	vld [tilespmem:s23+$0x19200]  }
0xb1: {  	v7 =	vld [tilespmem:s23+$0x19B00]  }
.Ltmp6:
0xb2: {  	v2 =	vld [tilespmem:s23+$0x1AA00];
	(pc) =	sbr.rel @p0 .LBB2_14-.Ltmp6, $4  }
0xb3: {  	v10 =	vmin.f32 v4, $-Inf;
	v5 =	vld [tilespmem:s23+$0x1A100]  }
0xb4: {  	v10 =	vmax.f32 v3, v10;
	v3 =	vld [tilespmem:s23+$0x19E00]  }
0xb5: {  	v8 =	vmax.f32 v10, v8;
	v10 =	vmin.f32 v4, v9;
	v11 =	vmax.f32 v4, v9;
	v4 =	vld [tilespmem:s23+$0x1A700]  }
0xb6: {  	v10 =	vmax.f32 v8, v10;
	v9 =	vmin.f32 v11, v6;
	v8 =	vmax.f32 v11, v6;
	v6 =	vld [tilespmem:s23+$0x1A400]  }
0xb7: {  	v7 =	vmax.f32 v10, v7  }
0xb8: {  	v55 =	vld [tilespmem:s23+$0x1AD00];
	v7 =	vmax.f32 v7, v9  }
0xb9: {  	v56 =	vld [tilespmem:s23+$0x1B000];
	v5 =	vmax.f32 v7, v5;
	v57 =	vmin.f32 v8, v3  }
0xba: {  	v58 =	vld [tilespmem:s23+$0x1B300];
	v3 =	vmax.f32 v8, v3;
	v5 =	vmax.f32 v5, v57  }
0xbb: {  	v59 =	vld [tilespmem:s23+$0x1B600];
	v4 =	vmax.f32 v5, v4;
	v60 =	vmin.f32 v3, v6  }
0xbc: {  	v61 =	vld [tilespmem:s23+$0x1B900];
	v3 =	vmax.f32 v3, v6;
	v4 =	vmax.f32 v4, v60  }
0xbd: {  	v6 =	vmin.f32 v3, v2;
	v4 =	vmax.f32 v4, v55  }
0xbe: {  	v2 =	vmax.f32 v3, v2;
	v3 =	vmax.f32 v4, v6  }
0xbf: {  	v62 =	vmin.f32 v2, v56;
	v3 =	vmax.f32 v3, v58  }
0xc0: {  	v2 =	vmax.f32 v2, v56;
	v3 =	vmax.f32 v3, v62  }
0xc1: {  	v63 =	vmax.f32 v2, v59;
	v2 =	vmin.f32 v2, v59;
	v3 =	vmax.f32 v3, v61  }
0xc2: {  	[tilespmem:s22+$0x1BC00] =	vst v63;
	v2 =	vmax.f32 v3, v2  }
0xc3: {  	[tilespmem:s22+$0x1BC80] =	vst v2  }
0xc4: {  	[hbm4b:s10+s3] =	stream.linear.scatter [tilespmem:s19], [sflag:$0x3], $0x60, $0x38;
	[tilespmem:$0x1BD00] =	vst v63  }
0xc5: {  	s21 =	sadd.s32 $0x1, s21;
	_ =	swait.ge [sflag:s17], $0x60  }
0xc6: {  	p0 =	sne.s32 s21, s12;
	[sflag:s17] =	ssyncset.done $0x0  }
.Ltmp7:
0xc7: {  	[sflag:s17] =	ssyncadd.s32 $0xFFFFFFA0;
	(pc) =	sbr.rel @p0 .LBB2_1-.Ltmp7, $4  }
0xc8: {  	[hbm4b:s11+s3] =	stream.linear.scatter [tilespmem:s20], [sflag:$0x3], $0x60, $0x38;
	[tilespmem:$0x1BD00] =	vst v63  }
0xc9: {  	_ =	swait.ge [sflag:s17], $0x60  }
0xca: {  	[sflag:s17] =	ssyncset.done $0x0  }
0xcb: {  	[sflag:s17] =	ssyncadd.s32 $0xFFFFFFA0  }
0xcc: {  	_ =	sfence.sel $0x180000  }
0xcd: {  	[bflag:$0x0] =	sbarrier.arrive $0xFFFF  }
0xce: {  	_ =	strace $0x90000047  }
0xcf: {  	[bflag:$0x2] =	sbarrier.arrive $0xFFFF  }
0xd0: {  	p0 =	sne.s32 s0, $0x0;
	s0 =	rddreg [dreg:$0x4]  }
0xd1: {  	s0 =	sadd.s32 @!p0 $0x100000, s0  }
0xd2: {  	[sflag:s0] =	ssyncadd.tile.s32 @!p0 $0x1;
	_ =	shalt  }
.Lfunc_end2:
_tile_overlayer_lowered:
.L_overlay_start_2:
0xd3: {  	(tag) =	ssettag $0x2  }
0xd4: {  	s0 =	rddreg [dreg:$0x0];
	s2 =	stileid.u32  }
0xd5: {  	s1 =	rddreg [dreg:$0x1];
	p0 =	sne.s32 s2, $0x0  }
0xd6: {  	s3 =	rddreg [dreg:$0x2];
	[bflag:$0x3] =	sbarrier.arrive $0xFFFF;
	s2 =	simm.s32 @!p0 $0x1C03  }
0xd7: {  	[timem:s3], [sflag:s2] =	dma.local @!p0 [hbm:s0], s1  }
0xd8: {  	s0 =	simm.s32 @!p0 $0x3  }
0xd9: {  	_ =	swait.ge @!p0 [sflag:s0], s1  }
0xda: {  	s1 =	ssub.s32 @!p0 $0x0, s1;
	[sflag:s0] =	ssyncset.done @!p0 $0x0  }
0xdb: {  	[sflag:s0] =	ssyncadd.s32 @!p0 s1  }
0xdc: {  	[bflag:$0x3] =	sbarrier.arrive $0xFFFF  }
0xdd: {  	_ =	shalt  }

</sc_bundles>
